<compile_context>
chip_gen: v7x
topology: tpu7x:2x2x1
jax: 0.10.2.dev20260603
libtpu: 0.0.44.dev20260713+nightly
codegen_flags: <defaults>
</compile_context>

<pallas_src>
import functools

import jax
import jax.numpy as jnp
from jax import lax
from jax.experimental import pallas as pl
from jax.experimental.pallas import tpu as pltpu
from jax.experimental.pallas import tpu_sc as plsc

B = 16384
D = 256
K = 8192
DECAY = 0.99
EPS = 1e-05

BM = 256
KC = 1024
NB = B // BM

NC = 2
NS = 16
CHUNK = 128


def _rtne_bf16(x):
    b = jax.lax.bitcast_convert_type(x, jnp.int32)
    r = (b + jnp.int32(0x7FFF) + ((b >> 16) & jnp.int32(1))) & jnp.int32(
        -65536)
    return jax.lax.bitcast_convert_type(r, jnp.float32)


def _k2_body(z_ref, w_ref, codes_ref, zn_ref, en_ref):
    i = pl.program_id(0)

    @pl.when(i == 0)
    def _():
        w = w_ref[...]
        nw = jnp.sqrt(jnp.sum(w * w, axis=1, keepdims=True))
        en = w / jnp.maximum(nw, EPS)
        en_ref[...] = _rtne_bf16(en)

    z = z_ref[...]
    nz = jnp.sqrt(jnp.sum(z * z, axis=1, keepdims=True))
    zn = z / jnp.maximum(nz, EPS)
    zn_ref[...] = zn
    znb = _rtne_bf16(zn).astype(jnp.bfloat16)

    best = jnp.full((BM, 1), -jnp.inf, dtype=jnp.float32)
    bestid = jnp.zeros((BM, 1), dtype=jnp.int32)
    for c in range(K // KC):
        en_c = en_ref[pl.ds(c * KC, KC), :].astype(jnp.bfloat16)
        sim = lax.dot_general(znb, en_c, (((1,), (1,)), ((), ())),
                              preferred_element_type=jnp.float32)
        cm = jnp.max(sim, axis=1, keepdims=True)
        ids = jax.lax.broadcasted_iota(jnp.int32, (BM, KC), 1) + c * KC
        cid = jnp.min(jnp.where(sim == cm, ids, K), axis=1, keepdims=True)
        upd = cm > best
        bestid = jnp.where(upd, cid, bestid)
        best = jnp.maximum(best, cm)
    codes_ref[...] = bestid


def _k2(z_e, weight):
    return pl.pallas_call(
        _k2_body,
        grid=(NB,),
        in_specs=[
            pl.BlockSpec((BM, D), lambda i: (i, 0)),
            pl.BlockSpec((K, D), lambda i: (0, 0)),
        ],
        out_specs=[
            pl.BlockSpec((BM, 1), lambda i: (i, 0)),
            pl.BlockSpec((BM, D), lambda i: (i, 0)),
        ],
        out_shape=[
            jax.ShapeDtypeStruct((B, 1), jnp.int32),
            jax.ShapeDtypeStruct((B, D), jnp.float32),
        ],
        scratch_shapes=[pltpu.VMEM((K, D), jnp.float32)],
    )(z_e, weight)


SHARD = K // (NC * NS)
CSTAGE = 1024
GROWS = 32


def _k3_body(codes_hbm, zn_hbm, zeros_hbm, zeros16_hbm, dw_hbm, cnt_hbm,
             cbuf, plist, gidx, gbuf, acc, cacc, sem):
    c = lax.axis_index("c")
    s = lax.axis_index("s")
    t = c * NS + s
    lo = t * SHARD

    pltpu.sync_copy(zeros_hbm, acc.at[pl.ds(0, SHARD)])
    pltpu.sync_copy(zeros16_hbm, cacc.at[pl.ds(0, SHARD)])

    zv = jnp.zeros((16,), jnp.int32)

    def stage(cs, ptr):
        pltpu.sync_copy(codes_hbm.at[pl.ds(cs * CSTAGE, CSTAGE)],
                        cbuf.at[pl.ds(0, CSTAGE)])

        def lane(l, pp):
            cv = cbuf[pl.ds(l, 16)][0]
            inr = (cv >= lo) & (cv < lo + SHARD)
            plist[pl.ds(pp, 16)] = zv + ((cs * CSTAGE + l) * 512 + (cv - lo))
            return pp + inr.astype(jnp.int32)

        return lax.fori_loop(0, CSTAGE, lane, ptr)

    nmine = lax.fori_loop(0, B // CSTAGE, stage, jnp.int32(0))

    for k in range(GROWS // 16):
        plist[pl.ds(nmine + k * 16, 16)] = zv + SHARD

    ones16 = jnp.ones((16,), jnp.float32)

    def bchunk(ch, carry):
        base = ch * GROWS

        @pl.when(base < nmine)
        def _():
            for k in range(GROWS // 16):
                gidx[pl.ds(k * 16, 16)] = (
                    plist[pl.ds(base + k * 16, 16)] >> 9)
            pltpu.async_copy(zn_hbm.at[gidx], gbuf, sem).wait()

            def row(j, c2):
                pk = plist[pl.ds(base + j, 16)][0]
                cl = jnp.where(base + j < nmine, pk & 511, SHARD)
                for v in range(D // 16):
                    plsc.addupdate(acc.at[cl, pl.ds(v * 16, 16)],
                                   gbuf[j, pl.ds(v * 16, 16)])
                plsc.addupdate(cacc.at[cl, pl.ds(0, 16)], ones16)
                return c2

            lax.fori_loop(0, GROWS, row, 0)

        return carry

    lax.fori_loop(0, B // GROWS, bchunk, 0)

    pltpu.sync_copy(acc.at[pl.ds(0, SHARD)], dw_hbm.at[pl.ds(lo, SHARD)])
    pltpu.sync_copy(cacc.at[pl.ds(0, SHARD)], cnt_hbm.at[pl.ds(lo, SHARD)])


def _k3(codes, zn, zeros_in, zeros16_in):
    mesh = plsc.VectorSubcoreMesh(core_axis_name="c", subcore_axis_name="s",
                                  num_cores=NC, num_subcores=NS)
    kfn = pl.kernel(
        _k3_body,
        out_type=[
            jax.ShapeDtypeStruct((K, D), jnp.float32),
            jax.ShapeDtypeStruct((K, 16), jnp.float32),
        ],
        mesh=mesh,
        scratch_types=[
            pltpu.VMEM((CSTAGE + 16,), jnp.int32),
            pltpu.VMEM((B + GROWS + 16,), jnp.int32),
            pltpu.VMEM((GROWS,), jnp.int32),
            pltpu.VMEM((GROWS, D), jnp.float32),
            pltpu.VMEM((SHARD + 8, D), jnp.float32),
            pltpu.VMEM((SHARD + 8, 16), jnp.float32),
            pltpu.SemaphoreType.DMA,
        ],
    )
    return kfn(codes, zn, zeros_in, zeros16_in)


def _k4_body(cnt_ref, ecs_ref, dw_ref, emaw_ref, nw_ref):
    counts = cnt_ref[:, pl.ds(0, 1)]
    new_cs = ecs_ref[...] * DECAY + counts * (1.0 - DECAY)
    n = jnp.sum(new_cs)
    cluster_size = (new_cs + EPS) / (n + float(K) * EPS) * n
    new_ema_w = emaw_ref[...] * DECAY + dw_ref[...] * (1.0 - DECAY)
    em = new_ema_w / jnp.maximum(cluster_size, EPS)
    nrm = jnp.sqrt(jnp.sum(em * em, axis=1, keepdims=True))
    nw_ref[...] = em / jnp.maximum(nrm, EPS)


def _k4(cnt, ema_cs2d, dw, ema_w):
    return pl.pallas_call(
        _k4_body,
        out_shape=jax.ShapeDtypeStruct((K, D), jnp.float32),
    )(cnt, ema_cs2d, dw, ema_w)


def _k5_body(table_hbm, codes_hbm, out_hbm, idx_v, rows_v, sem):
    c = lax.axis_index("c")
    s = lax.axis_index("s")
    wid = s * NC + c
    per_w = B // (NC * NS)

    def chunk(ch, carry):
        base = wid * per_w + ch * CHUNK
        pltpu.sync_copy(codes_hbm.at[pl.ds(base, CHUNK)], idx_v)
        pltpu.async_copy(table_hbm.at[idx_v], rows_v, sem).wait()
        pltpu.sync_copy(rows_v, out_hbm.at[pl.ds(base, CHUNK)])
        return carry

    lax.fori_loop(0, per_w // CHUNK, chunk, 0)


def _k5(new_weight, codes):
    mesh = plsc.VectorSubcoreMesh(core_axis_name="c", subcore_axis_name="s",
                                  num_cores=NC, num_subcores=NS)
    kfn = pl.kernel(
        _k5_body,
        out_type=jax.ShapeDtypeStruct((B, D), jnp.float32),
        mesh=mesh,
        scratch_types=[
            pltpu.VMEM((CHUNK,), jnp.int32),
            pltpu.VMEM((CHUNK, D), jnp.float32),
            pltpu.SemaphoreType.DMA,
        ],
    )
    return kfn(new_weight, codes)


def _k6_body(z_ref, es_ref, zq_ref, d_ref):
    z = z_ref[...]
    nz = jnp.sqrt(jnp.sum(z * z, axis=1, keepdims=True))
    zn = z / jnp.maximum(nz, EPS)
    es = es_ref[...]
    ne = jnp.sqrt(jnp.sum(es * es, axis=1, keepdims=True))
    esn = es / jnp.maximum(ne, EPS)
    z_q = es * jnp.maximum(nz, EPS)
    zq_ref[...] = z + (z_q - z)
    d_ref[...] = 1.0 - jnp.sum(zn * esn, axis=1, keepdims=True)


def _k6(z_e, e_sel):
    return pl.pallas_call(
        _k6_body,
        grid=(NB,),
        in_specs=[
            pl.BlockSpec((BM, D), lambda i: (i, 0)),
            pl.BlockSpec((BM, D), lambda i: (i, 0)),
        ],
        out_specs=[
            pl.BlockSpec((BM, D), lambda i: (i, 0)),
            pl.BlockSpec((BM, 1), lambda i: (i, 0)),
        ],
        out_shape=[
            jax.ShapeDtypeStruct((B, D), jnp.float32),
            jax.ShapeDtypeStruct((B, 1), jnp.float32),
        ],
    )(z_e, e_sel)


def kernel(z_e, weight, ema_cluster_size, ema_w):
    codes2d, zn = _k2(z_e, weight)
    codes = codes2d.reshape(B)
    zeros_in = jnp.zeros((SHARD, D), jnp.float32)
    zeros16_in = jnp.zeros((SHARD, 16), jnp.float32)
    dw, cnt = _k3(codes, zn, zeros_in, zeros16_in)
    new_weight = _k4(cnt, ema_cluster_size.reshape(K, 1), dw, ema_w)
    e_sel = _k5(new_weight, codes)
    z_q_st, dists2d = _k6(z_e, e_sel)
    return (z_q_st, codes, dists2d.reshape(B))

# --- scband reference (transcript-rebuilt; emitter-appended) ---
"""Pipeline reference for scband-vector-quantizer-ema-30202210025599 (READ-ONLY COPY).

The authoritative reference and input builder live on the scoring server;
editing this copy changes nothing except your own understanding.
"""

import jax, jax.numpy as jnp
import numpy as np

B = 16384
D = 256
K = 8192
DECAY = 0.99
EPS = 1e-05


def _normalize(x, eps=EPS):
    n = jnp.linalg.norm(x, axis=1, keepdims=True)
    return x / jnp.maximum(n, eps)


def setup_inputs(seed: int = 0) -> dict:
    key = jax.random.key(seed)
    k1, k2 = jax.random.split(key)
    z_e = jax.random.normal(k1, (B, D), dtype=jnp.float32)
    weight = jax.random.normal(k2, (K, D), dtype=jnp.float32)
    weight = _normalize(weight)
    ema_cluster_size = jnp.zeros((K,), dtype=jnp.float32)
    ema_w = jnp.zeros((K, D), dtype=jnp.float32)
    return {"z_e": z_e, "weight": weight, "ema_cluster_size": ema_cluster_size, "ema_w": ema_w}


def reference(z_e, weight, ema_cluster_size, ema_w):
    # tau = 1.0 (default): no scaling applied to sim
    zf = jax.lax.stop_gradient(z_e).astype(jnp.float32)
    z_n = _normalize(zf)
    e_n = _normalize(weight.astype(jnp.float32))
    sim = z_n @ e_n.T
    codes = jnp.argmax(sim, axis=1)
    # EMA update (no_grad in torch)
    oh = jax.nn.one_hot(codes, K, dtype=jnp.float32)
    new_cs = ema_cluster_size * DECAY + oh.sum(axis=0) * (1.0 - DECAY)
    dw = oh.T @ z_n
    new_ema_w = ema_w * DECAY + dw * (1.0 - DECAY)
    n = new_cs.sum()
    cluster_size = (new_cs + EPS) / (n + float(K) * EPS) * n
    embed_mean = new_ema_w / jnp.maximum(cluster_size[:, None], EPS)
    new_weight = _normalize(embed_mean)
    # quantize using the *updated* codebook (matches torch forward ordering)
    e_sel = jnp.take(new_weight, codes, axis=0)
    z_norm = jnp.maximum(jnp.linalg.norm(zf, axis=1, keepdims=True), EPS)
    z_q = e_sel * z_norm
    z_q_st = z_e + jax.lax.stop_gradient(z_q - z_e)
    dists = 1.0 - jnp.sum(z_n * _normalize(e_sel.astype(jnp.float32)), axis=1)
    return (z_q_st, codes, dists)

if __name__ == "__main__":
    import jax
    _d = setup_inputs()
    print(jax.jit(kernel)(*tuple(_d.values())))

</pallas_src>

<mosaic_0001>
#map = affine_map<(d0, d1) -> (0, 0)>
#map1 = affine_map<(d0, d1) -> (0)>
module attributes {stable_mosaic.version = 14 : i64} {
  func.func @_k5_body(%arg0: i32, %arg1: i32, %arg2: memref<8192x256xf32, #tpu.memory_space<hbm>>, %arg3: memref<16384xi32, #tpu.memory_space<hbm>>, %arg4: memref<16384x256xf32, #tpu.memory_space<hbm>>, %arg5: memref<128xi32, #tpu.memory_space<vmem>>, %arg6: memref<128x256xf32, #tpu.memory_space<vmem>>, %arg7: memref<!tpu.dma_semaphore, #tpu.memory_space<semaphore_mem>>) attributes {dimension_semantics = [#tpu.dimension_semantics<core_parallel>, #tpu.dimension_semantics<subcore_parallel>], iteration_bounds = array<i64: 2, 16>, scalar_prefetch = 0 : i64, scratch_operands = 3 : i64, tpu.core_type = #tpu.core_type<sc_vector_subcore>, window_params = [{transform_indices = #map}, {transform_indices = #map1}, {transform_indices = #map}]} {
    %mul3A = arith.constant 2 : i32
    %mul3A_0 = arith.muli %arg1, %mul3A : i32
    %add3A = arith.addi %mul3A_0, %arg0 : i32
    %scan3A = arith.constant 0 : i32
    %scan3A_1 = arith.constant 0 : i32
    %scan3A_2 = arith.constant 4 : i32
    %scan3A_3 = arith.addi %scan3A_1, %scan3A_2 : i32
    %scan3A_4 = arith.constant 1 : i32
    scf.for %scan3A_6 = %scan3A_1 to %scan3A_3 step %scan3A_4  : i32 {
      %mul3A_7 = arith.constant 512 : i32
      %mul3A_8 = arith.muli %add3A, %mul3A_7 : i32
      %mul3A_9 = arith.constant 128 : i32
      %mul3A_10 = arith.muli %scan3A_6, %mul3A_9 : i32
      %add3A_11 = arith.addi %mul3A_8, %mul3A_10 : i32
      "tpu.region"() ({
        %run_scoped3A = tpu.sem_alloc : memref<!tpu.dma_semaphore, #tpu.memory_space<semaphore_mem>>
        %dma_start3A_16 = tpu.memref_slice %arg3[%add3A_11] : memref<16384xi32, #tpu.memory_space<hbm>> -> memref<128xi32, #tpu.memory_space<hbm>>
        %dma_start3A_17 = tpu.memref_slice %arg3[%add3A_11] : memref<16384xi32, #tpu.memory_space<hbm>> -> memref<128xi32, #tpu.memory_space<hbm>>
        tpu.enqueue_dma source(%dma_start3A_17 : memref<128xi32, #tpu.memory_space<hbm>>) target(%arg5 : memref<128xi32, #tpu.memory_space<vmem>>) target_semaphore(%run_scoped3A : memref<!tpu.dma_semaphore, #tpu.memory_space<semaphore_mem>>)
        %dma_wait3A_18 = tpu.memref_slice %arg3[%add3A_11] : memref<16384xi32, #tpu.memory_space<hbm>> -> memref<128xi32, #tpu.memory_space<hbm>>
        %dma_wait3A_19 = tpu.memref_slice %arg3[%add3A_11] : memref<16384xi32, #tpu.memory_space<hbm>> -> memref<128xi32, #tpu.memory_space<hbm>>
        tpu.wait_dma2 semaphore(%run_scoped3A : memref<!tpu.dma_semaphore, #tpu.memory_space<semaphore_mem>>) src(%dma_wait3A_19 : memref<128xi32, #tpu.memory_space<hbm>>) dst(%arg5 : memref<128xi32, #tpu.memory_space<vmem>>)
        tpu.yield
      }) : () -> ()
      %dma_start3A = arith.constant 0 : i32
      %dma_start3A_12 = arith.constant 0 : i32
      %dma_start3A_13 = tpu.memref_slice %arg2[%dma_start3A, %dma_start3A_12] : memref<8192x256xf32, #tpu.memory_space<hbm>> -> memref<8192x256xf32, #tpu.memory_space<hbm>>
      tpu.enqueue_indirect_dma source(%dma_start3A_13 : memref<8192x256xf32, #tpu.memory_space<hbm>>) target(%arg6 : memref<128x256xf32, #tpu.memory_space<vmem>>) offsets(%arg5 : memref<128xi32, #tpu.memory_space<vmem>>) semaphore(%arg7 : memref<!tpu.dma_semaphore, #tpu.memory_space<semaphore_mem>>)
      %dma_wait3A = arith.constant 0 : i32
      %dma_wait3A_14 = arith.constant 0 : i32
      %dma_wait3A_15 = tpu.memref_slice %arg2[%dma_wait3A, %dma_wait3A_14] : memref<8192x256xf32, #tpu.memory_space<hbm>> -> memref<8192x256xf32, #tpu.memory_space<hbm>>
      tpu.wait_indirect_dma semaphore(%arg7 : memref<!tpu.dma_semaphore, #tpu.memory_space<semaphore_mem>>) src(%dma_wait3A_15 : memref<8192x256xf32, #tpu.memory_space<hbm>>) dst(%arg6 : memref<128x256xf32, #tpu.memory_space<vmem>>)
      "tpu.region"() ({
        %run_scoped3A = tpu.sem_alloc : memref<!tpu.dma_semaphore, #tpu.memory_space<semaphore_mem>>
        %dma_start3A_16 = arith.constant 0 : i32
        %dma_start3A_17 = tpu.memref_slice %arg4[%add3A_11, %dma_start3A_16] : memref<16384x256xf32, #tpu.memory_space<hbm>> -> memref<128x256xf32, #tpu.memory_space<hbm>>
        %dma_start3A_18 = arith.constant 0 : i32
        %dma_start3A_19 = tpu.memref_slice %arg4[%add3A_11, %dma_start3A_18] : memref<16384x256xf32, #tpu.memory_space<hbm>> -> memref<128x256xf32, #tpu.memory_space<hbm>>
        tpu.enqueue_dma source(%arg6 : memref<128x256xf32, #tpu.memory_space<vmem>>) target(%dma_start3A_19 : memref<128x256xf32, #tpu.memory_space<hbm>>) target_semaphore(%run_scoped3A : memref<!tpu.dma_semaphore, #tpu.memory_space<semaphore_mem>>)
        %dma_wait3A_20 = arith.constant 0 : i32
        %dma_wait3A_21 = tpu.memref_slice %arg4[%add3A_11, %dma_wait3A_20] : memref<16384x256xf32, #tpu.memory_space<hbm>> -> memref<128x256xf32, #tpu.memory_space<hbm>>
        %dma_wait3A_22 = arith.constant 0 : i32
        %dma_wait3A_23 = tpu.memref_slice %arg4[%add3A_11, %dma_wait3A_22] : memref<16384x256xf32, #tpu.memory_space<hbm>> -> memref<128x256xf32, #tpu.memory_space<hbm>>
        tpu.wait_dma2 semaphore(%run_scoped3A : memref<!tpu.dma_semaphore, #tpu.memory_space<semaphore_mem>>) src(%arg6 : memref<128x256xf32, #tpu.memory_space<vmem>>) dst(%dma_wait3A_23 : memref<128x256xf32, #tpu.memory_space<hbm>>)
        tpu.yield
      }) : () -> ()
    }
    %scan3A_5 = arith.constant 4 : i32
    return
  }
}

#map = affine_map<(d0, d1) -> (0)>
#map1 = affine_map<(d0, d1) -> (0, 0)>
module attributes {stable_mosaic.version = 14 : i64} {
  func.func @_k3_body(%arg0: i32, %arg1: i32, %arg2: memref<16384xi32, #tpu.memory_space<hbm>>, %arg3: memref<16384x256xf32, #tpu.memory_space<hbm>>, %arg4: memref<256x256xf32, #tpu.memory_space<hbm>>, %arg5: memref<256x16xf32, #tpu.memory_space<hbm>>, %arg6: memref<8192x256xf32, #tpu.memory_space<hbm>>, %arg7: memref<8192x16xf32, #tpu.memory_space<hbm>>, %arg8: memref<1040xi32, #tpu.memory_space<vmem>>, %arg9: memref<16432xi32, #tpu.memory_space<vmem>>, %arg10: memref<32xi32, #tpu.memory_space<vmem>>, %arg11: memref<32x256xf32, #tpu.memory_space<vmem>>, %arg12: memref<264x256xf32, #tpu.memory_space<vmem>>, %arg13: memref<264x16xf32, #tpu.memory_space<vmem>>, %arg14: memref<!tpu.dma_semaphore, #tpu.memory_space<semaphore_mem>>) attributes {dimension_semantics = [#tpu.dimension_semantics<core_parallel>, #tpu.dimension_semantics<subcore_parallel>], iteration_bounds = array<i64: 2, 16>, scalar_prefetch = 0 : i64, scratch_operands = 7 : i64, tpu.core_type = #tpu.core_type<sc_vector_subcore>, window_params = [{transform_indices = #map}, {transform_indices = #map1}, {transform_indices = #map1}, {transform_indices = #map1}, {transform_indices = #map1}, {transform_indices = #map1}]} {
    %mul3A = arith.constant 16 : i32
    %mul3A_0 = arith.muli %arg0, %mul3A : i32
    %add3A = arith.addi %mul3A_0, %arg1 : i32
    %mul3A_1 = arith.constant 256 : i32
    %mul3A_2 = arith.muli %add3A, %mul3A_1 : i32
    "tpu.region"() ({
      %run_scoped3A = tpu.sem_alloc : memref<!tpu.dma_semaphore, #tpu.memory_space<semaphore_mem>>
      %dma_start3A = arith.constant 0 : i32
      %dma_start3A_35 = arith.constant 0 : i32
      %dma_start3A_36 = tpu.memref_slice %arg12[%dma_start3A, %dma_start3A_35] : memref<264x256xf32, #tpu.memory_space<vmem>> -> memref<256x256xf32, #tpu.memory_space<vmem>>
      %dma_start3A_37 = arith.constant 0 : i32
      %dma_start3A_38 = arith.constant 0 : i32
      %dma_start3A_39 = tpu.memref_slice %arg12[%dma_start3A_37, %dma_start3A_38] : memref<264x256xf32, #tpu.memory_space<vmem>> -> memref<256x256xf32, #tpu.memory_space<vmem>>
      tpu.enqueue_dma source(%arg4 : memref<256x256xf32, #tpu.memory_space<hbm>>) target(%dma_start3A_39 : memref<256x256xf32, #tpu.memory_space<vmem>>) target_semaphore(%run_scoped3A : memref<!tpu.dma_semaphore, #tpu.memory_space<semaphore_mem>>)
      %dma_wait3A = arith.constant 0 : i32
      %dma_wait3A_40 = arith.constant 0 : i32
      %dma_wait3A_41 = tpu.memref_slice %arg12[%dma_wait3A, %dma_wait3A_40] : memref<264x256xf32, #tpu.memory_space<vmem>> -> memref<256x256xf32, #tpu.memory_space<vmem>>
      %dma_wait3A_42 = arith.constant 0 : i32
      %dma_wait3A_43 = arith.constant 0 : i32
      %dma_wait3A_44 = tpu.memref_slice %arg12[%dma_wait3A_42, %dma_wait3A_43] : memref<264x256xf32, #tpu.memory_space<vmem>> -> memref<256x256xf32, #tpu.memory_space<vmem>>
      tpu.wait_dma2 semaphore(%run_scoped3A : memref<!tpu.dma_semaphore, #tpu.memory_space<semaphore_mem>>) src(%arg4 : memref<256x256xf32, #tpu.memory_space<hbm>>) dst(%dma_wait3A_44 : memref<256x256xf32, #tpu.memory_space<vmem>>)
      tpu.yield
    }) : () -> ()
    "tpu.region"() ({
      %run_scoped3A = tpu.sem_alloc : memref<!tpu.dma_semaphore, #tpu.memory_space<semaphore_mem>>
      %dma_start3A = arith.constant 0 : i32
      %dma_start3A_35 = arith.constant 0 : i32
      %dma_start3A_36 = tpu.memref_slice %arg13[%dma_start3A, %dma_start3A_35] : memref<264x16xf32, #tpu.memory_space<vmem>> -> memref<256x16xf32, #tpu.memory_space<vmem>>
      %dma_start3A_37 = arith.constant 0 : i32
      %dma_start3A_38 = arith.constant 0 : i32
      %dma_start3A_39 = tpu.memref_slice %arg13[%dma_start3A_37, %dma_start3A_38] : memref<264x16xf32, #tpu.memory_space<vmem>> -> memref<256x16xf32, #tpu.memory_space<vmem>>
      tpu.enqueue_dma source(%arg5 : memref<256x16xf32, #tpu.memory_space<hbm>>) target(%dma_start3A_39 : memref<256x16xf32, #tpu.memory_space<vmem>>) target_semaphore(%run_scoped3A : memref<!tpu.dma_semaphore, #tpu.memory_space<semaphore_mem>>)
      %dma_wait3A = arith.constant 0 : i32
      %dma_wait3A_40 = arith.constant 0 : i32
      %dma_wait3A_41 = tpu.memref_slice %arg13[%dma_wait3A, %dma_wait3A_40] : memref<264x16xf32, #tpu.memory_space<vmem>> -> memref<256x16xf32, #tpu.memory_space<vmem>>
      %dma_wait3A_42 = arith.constant 0 : i32
      %dma_wait3A_43 = arith.constant 0 : i32
      %dma_wait3A_44 = tpu.memref_slice %arg13[%dma_wait3A_42, %dma_wait3A_43] : memref<264x16xf32, #tpu.memory_space<vmem>> -> memref<256x16xf32, #tpu.memory_space<vmem>>
      tpu.wait_dma2 semaphore(%run_scoped3A : memref<!tpu.dma_semaphore, #tpu.memory_space<semaphore_mem>>) src(%arg5 : memref<256x16xf32, #tpu.memory_space<hbm>>) dst(%dma_wait3A_44 : memref<256x16xf32, #tpu.memory_space<vmem>>)
      tpu.yield
    }) : () -> ()
    %broadcast_in_dim3A = arith.constant 0 : i32
    %broadcast_in_dim3A_3 = vector.broadcast %broadcast_in_dim3A : i32 to vector<16xi32>
    %scan3A = arith.constant 0 : i32
    %scan3A_4 = arith.constant 0 : i32
    %scan3A_5 = arith.constant 16 : i32
    %scan3A_6 = arith.addi %scan3A_4, %scan3A_5 : i32
    %scan3A_7 = arith.constant 1 : i32
    %scan3A_8 = scf.for %scan3A_35 = %scan3A_4 to %scan3A_6 step %scan3A_7 iter_args(%scan3A_36 = %scan3A) -> (i32)  : i32 {
      %mul3A_37 = arith.constant 1024 : i32
      %mul3A_38 = arith.muli %scan3A_35, %mul3A_37 : i32
      "tpu.region"() ({
        %run_scoped3A = tpu.sem_alloc : memref<!tpu.dma_semaphore, #tpu.memory_space<semaphore_mem>>
        %dma_start3A = arith.constant 0 : i32
        %dma_start3A_45 = tpu.memref_slice %arg8[%dma_start3A] : memref<1040xi32, #tpu.memory_space<vmem>> -> memref<1024xi32, #tpu.memory_space<vmem>>
        %dma_start3A_46 = tpu.memref_slice %arg2[%mul3A_38] : memref<16384xi32, #tpu.memory_space<hbm>> -> memref<1024xi32, #tpu.memory_space<hbm>>
        %dma_start3A_47 = arith.constant 0 : i32
        %dma_start3A_48 = tpu.memref_slice %arg8[%dma_start3A_47] : memref<1040xi32, #tpu.memory_space<vmem>> -> memref<1024xi32, #tpu.memory_space<vmem>>
        %dma_start3A_49 = tpu.memref_slice %arg2[%mul3A_38] : memref<16384xi32, #tpu.memory_space<hbm>> -> memref<1024xi32, #tpu.memory_space<hbm>>
        tpu.enqueue_dma source(%dma_start3A_49 : memref<1024xi32, #tpu.memory_space<hbm>>) target(%dma_start3A_48 : memref<1024xi32, #tpu.memory_space<vmem>>) target_semaphore(%run_scoped3A : memref<!tpu.dma_semaphore, #tpu.memory_space<semaphore_mem>>)
        %dma_wait3A = arith.constant 0 : i32
        %dma_wait3A_50 = tpu.memref_slice %arg8[%dma_wait3A] : memref<1040xi32, #tpu.memory_space<vmem>> -> memref<1024xi32, #tpu.memory_space<vmem>>
        %dma_wait3A_51 = tpu.memref_slice %arg2[%mul3A_38] : memref<16384xi32, #tpu.memory_space<hbm>> -> memref<1024xi32, #tpu.memory_space<hbm>>
        %dma_wait3A_52 = arith.constant 0 : i32
        %dma_wait3A_53 = tpu.memref_slice %arg8[%dma_wait3A_52] : memref<1040xi32, #tpu.memory_space<vmem>> -> memref<1024xi32, #tpu.memory_space<vmem>>
        %dma_wait3A_54 = tpu.memref_slice %arg2[%mul3A_38] : memref<16384xi32, #tpu.memory_space<hbm>> -> memref<1024xi32, #tpu.memory_space<hbm>>
        tpu.wait_dma2 semaphore(%run_scoped3A : memref<!tpu.dma_semaphore, #tpu.memory_space<semaphore_mem>>) src(%dma_wait3A_54 : memref<1024xi32, #tpu.memory_space<hbm>>) dst(%dma_wait3A_53 : memref<1024xi32, #tpu.memory_space<vmem>>)
        tpu.yield
      }) : () -> ()
      %scan3A_39 = arith.constant 0 : i32
      %scan3A_40 = arith.constant 1024 : i32
      %scan3A_41 = arith.addi %scan3A_39, %scan3A_40 : i32
      %scan3A_42 = arith.constant 1 : i32
      %scan3A_43 = scf.for %scan3A_45 = %scan3A_39 to %scan3A_41 step %scan3A_42 iter_args(%scan3A_46 = %scan3A_36) -> (i32)  : i32 {
        %get3A = arith.index_cast %scan3A_45 : i32 to index
        %get3A_47 = tpu.vector_load %arg8[%get3A] {strides = array<i32>} : memref<1040xi32, #tpu.memory_space<vmem>>, vector<16xi32>,
        %get3A_48 = vector.shape_cast %get3A_47 : vector<16xi32> to vector<16xi32>
        %slice3A = vector.extract_strided_slice %get3A_48 {offsets = [0], sizes = [1], strides = [1]} : vector<16xi32> to vector<1xi32>
        %squeeze3A = vector.extract %slice3A[0] : i32 from vector<1xi32>
        %ge3A = arith.cmpi sge, %squeeze3A, %mul3A_2 : i32
        %add3A_49 = arith.constant 256 : i32
        %add3A_50 = arith.addi %mul3A_2, %add3A_49 : i32
        %lt3A = arith.cmpi slt, %squeeze3A, %add3A_50 : i32
        %and3A = arith.andi %ge3A, %lt3A : i1
        %mul3A_51 = arith.constant 1024 : i32
        %mul3A_52 = arith.muli %scan3A_35, %mul3A_51 : i32
        %add3A_53 = arith.addi %mul3A_52, %scan3A_45 : i32
        %mul3A_54 = arith.constant 512 : i32
        %mul3A_55 = arith.muli %add3A_53, %mul3A_54 : i32
        %sub3A = arith.subi %squeeze3A, %mul3A_2 : i32
        %add3A_56 = arith.addi %mul3A_55, %sub3A : i32
        %add3A_57 = vector.broadcast %add3A_56 : i32 to vector<16xi32>
        %add3A_58 = arith.addi %broadcast_in_dim3A_3, %add3A_57 : vector<16xi32>
        %swap3A_59 = arith.index_cast %scan3A_46 : i32 to index
        %swap3A_60 = tpu.vector_load %arg9[%swap3A_59] {strides = array<i32>} : memref<16432xi32, #tpu.memory_space<vmem>>, vector<16xi32>,
        %swap3A_61 = vector.shape_cast %swap3A_60 : vector<16xi32> to vector<16xi32>
        %swap3A_62 = vector.shape_cast %add3A_58 : vector<16xi32> to vector<16xi32>
        tpu.vector_store %arg9[%swap3A_59], %swap3A_62 {strides = array<i32>} : memref<16432xi32, #tpu.memory_space<vmem>>, vector<16xi32>,
        %convert_element_type3A = arith.extui %and3A : i1 to i32
        %add3A_63 = arith.addi %scan3A_46, %convert_element_type3A : i32
        scf.yield %add3A_63 : i32
      }
      %scan3A_44 = arith.constant 1024 : i32
      scf.yield %scan3A_43 : i32
    }
    %scan3A_9 = arith.constant 16 : i32
    %add3A_10 = arith.constant 256 : i32
    %add3A_11 = vector.broadcast %add3A_10 : i32 to vector<16xi32>
    %add3A_12 = arith.addi %broadcast_in_dim3A_3, %add3A_11 : vector<16xi32>
    %add3A_13 = arith.constant 0 : i32
    %add3A_14 = arith.addi %scan3A_8, %add3A_13 : i32
    %swap3A = arith.index_cast %add3A_14 : i32 to index
    %swap3A_15 = tpu.vector_load %arg9[%swap3A] {strides = array<i32>} : memref<16432xi32, #tpu.memory_space<vmem>>, vector<16xi32>,
    %swap3A_16 = vector.shape_cast %swap3A_15 : vector<16xi32> to vector<16xi32>
    %swap3A_17 = vector.shape_cast %add3A_12 : vector<16xi32> to vector<16xi32>
    tpu.vector_store %arg9[%swap3A], %swap3A_17 {strides = array<i32>} : memref<16432xi32, #tpu.memory_space<vmem>>, vector<16xi32>,
    %add3A_18 = arith.constant 256 : i32
    %add3A_19 = vector.broadcast %add3A_18 : i32 to vector<16xi32>
    %add3A_20 = arith.addi %broadcast_in_dim3A_3, %add3A_19 : vector<16xi32>
    %add3A_21 = arith.constant 16 : i32
    %add3A_22 = arith.addi %scan3A_8, %add3A_21 : i32
    %swap3A_23 = arith.index_cast %add3A_22 : i32 to index
    %swap3A_24 = tpu.vector_load %arg9[%swap3A_23] {strides = array<i32>} : memref<16432xi32, #tpu.memory_space<vmem>>, vector<16xi32>,
    %swap3A_25 = vector.shape_cast %swap3A_24 : vector<16xi32> to vector<16xi32>
    %swap3A_26 = vector.shape_cast %add3A_20 : vector<16xi32> to vector<16xi32>
    tpu.vector_store %arg9[%swap3A_23], %swap3A_26 {strides = array<i32>} : memref<16432xi32, #tpu.memory_space<vmem>>, vector<16xi32>,
    %broadcast_in_dim3A_27 = arith.constant 1.000000e+00 : f32
    %broadcast_in_dim3A_28 = vector.broadcast %broadcast_in_dim3A_27 : f32 to vector<16xf32>
    %scan3A_29 = arith.constant 0 : i32
    %scan3A_30 = arith.constant 0 : i32
    %scan3A_31 = arith.constant 512 : i32
    %scan3A_32 = arith.addi %scan3A_30, %scan3A_31 : i32
    %scan3A_33 = arith.constant 1 : i32
    scf.for %scan3A_35 = %scan3A_30 to %scan3A_32 step %scan3A_33  : i32 {
      %mul3A_36 = arith.constant 32 : i32
      %mul3A_37 = arith.muli %scan3A_35, %mul3A_36 : i32
      %lt3A = arith.cmpi slt, %mul3A_37, %scan3A_8 : i32
      %convert_element_type3A = arith.extui %lt3A : i1 to i32
      %cond3A = arith.constant 0 : i32
      %cond3A_38 = arith.cmpi ne, %convert_element_type3A, %cond3A : i32
      scf.if %cond3A_38 {
        %add3A_39 = arith.constant 0 : i32
        %add3A_40 = arith.addi %mul3A_37, %add3A_39 : i32
        %get3A = arith.index_cast %add3A_40 : i32 to index
        %get3A_41 = tpu.vector_load %arg9[%get3A] {strides = array<i32>} : memref<16432xi32, #tpu.memory_space<vmem>>, vector<16xi32>,
        %get3A_42 = vector.shape_cast %get3A_41 : vector<16xi32> to vector<16xi32>
        %shift_right_arithmetic3A = arith.constant 9 : i32
        %shift_right_arithmetic3A_43 = vector.broadcast %shift_right_arithmetic3A : i32 to vector<16xi32>
        %shift_right_arithmetic3A_44 = arith.shrsi %get3A_42, %shift_right_arithmetic3A_43 : vector<16xi32>
        %swap3A_45 = arith.constant 0 : index
        %swap3A_46 = tpu.vector_load %arg10[%swap3A_45] {strides = array<i32>} : memref<32xi32, #tpu.memory_space<vmem>>, vector<16xi32>,
        %swap3A_47 = vector.shape_cast %swap3A_46 : vector<16xi32> to vector<16xi32>
        %swap3A_48 = vector.shape_cast %shift_right_arithmetic3A_44 : vector<16xi32> to vector<16xi32>
        tpu.vector_store %arg10[%swap3A_45], %swap3A_48 {strides = array<i32>} : memref<32xi32, #tpu.memory_space<vmem>>, vector<16xi32>,
        %add3A_49 = arith.constant 16 : i32
        %add3A_50 = arith.addi %mul3A_37, %add3A_49 : i32
        %get3A_51 = arith.index_cast %add3A_50 : i32 to index
        %get3A_52 = tpu.vector_load %arg9[%get3A_51] {strides = array<i32>} : memref<16432xi32, #tpu.memory_space<vmem>>, vector<16xi32>,
        %get3A_53 = vector.shape_cast %get3A_52 : vector<16xi32> to vector<16xi32>
        %shift_right_arithmetic3A_54 = arith.constant 9 : i32
        %shift_right_arithmetic3A_55 = vector.broadcast %shift_right_arithmetic3A_54 : i32 to vector<16xi32>
        %shift_right_arithmetic3A_56 = arith.shrsi %get3A_53, %shift_right_arithmetic3A_55 : vector<16xi32>
        %swap3A_57 = arith.constant 16 : index
        %swap3A_58 = tpu.vector_load %arg10[%swap3A_57] {strides = array<i32>} : memref<32xi32, #tpu.memory_space<vmem>>, vector<16xi32>,
        %swap3A_59 = vector.shape_cast %swap3A_58 : vector<16xi32> to vector<16xi32>
        %swap3A_60 = vector.shape_cast %shift_right_arithmetic3A_56 : vector<16xi32> to vector<16xi32>
        tpu.vector_store %arg10[%swap3A_57], %swap3A_60 {strides = array<i32>} : memref<32xi32, #tpu.memory_space<vmem>>, vector<16xi32>,
        %dma_start3A = arith.constant 0 : i32
        %dma_start3A_61 = arith.constant 0 : i32
        %dma_start3A_62 = tpu.memref_slice %arg3[%dma_start3A, %dma_start3A_61] : memref<16384x256xf32, #tpu.memory_space<hbm>> -> memref<16384x256xf32, #tpu.memory_space<hbm>>
        tpu.enqueue_indirect_dma source(%dma_start3A_62 : memref<16384x256xf32, #tpu.memory_space<hbm>>) target(%arg11 : memref<32x256xf32, #tpu.memory_space<vmem>>) offsets(%arg10 : memref<32xi32, #tpu.memory_space<vmem>>) semaphore(%arg14 : memref<!tpu.dma_semaphore, #tpu.memory_space<semaphore_mem>>)
        %dma_wait3A = arith.constant 0 : i32
        %dma_wait3A_63 = arith.constant 0 : i32
        %dma_wait3A_64 = tpu.memref_slice %arg3[%dma_wait3A, %dma_wait3A_63] : memref<16384x256xf32, #tpu.memory_space<hbm>> -> memref<16384x256xf32, #tpu.memory_space<hbm>>
        tpu.wait_indirect_dma semaphore(%arg14 : memref<!tpu.dma_semaphore, #tpu.memory_space<semaphore_mem>>) src(%dma_wait3A_64 : memref<16384x256xf32, #tpu.memory_space<hbm>>) dst(%arg11 : memref<32x256xf32, #tpu.memory_space<vmem>>)
        %scan3A_65 = arith.constant 0 : i32
        %scan3A_66 = arith.constant 0 : i32
        %scan3A_67 = arith.constant 32 : i32
        %scan3A_68 = arith.addi %scan3A_66, %scan3A_67 : i32
        %scan3A_69 = arith.constant 1 : i32
        scf.for %scan3A_71 = %scan3A_66 to %scan3A_68 step %scan3A_69  : i32 {
          %add3A_72 = arith.addi %mul3A_37, %scan3A_71 : i32
          %get3A_73 = arith.index_cast %add3A_72 : i32 to index
          %get3A_74 = tpu.vector_load %arg9[%get3A_73] {strides = array<i32>} : memref<16432xi32, #tpu.memory_space<vmem>>, vector<16xi32>,
          %get3A_75 = vector.shape_cast %get3A_74 : vector<16xi32> to vector<16xi32>
          %slice3A = vector.extract_strided_slice %get3A_75 {offsets = [0], sizes = [1], strides = [1]} : vector<16xi32> to vector<1xi32>
          %squeeze3A = vector.extract %slice3A[0] : i32 from vector<1xi32>
          %add3A_76 = arith.addi %mul3A_37, %scan3A_71 : i32
          %lt3A_77 = arith.cmpi slt, %add3A_76, %scan3A_8 : i32
          %and3A = arith.constant 511 : i32
          %and3A_78 = arith.andi %squeeze3A, %and3A : i32
          %jit3A = arith.constant 256 : i32
          %select_n3A = arith.select %lt3A_77, %and3A_78, %jit3A : i32
          %get3A_79 = arith.index_cast %scan3A_71 : i32 to index
          %get3A_80 = arith.constant 0 : index
          %get3A_81 = tpu.vector_load %arg11[%get3A_79, %get3A_80] {strides = array<i32>} : memref<32x256xf32, #tpu.memory_space<vmem>>, vector<1x16xf32>,
          %get3A_82 = vector.shape_cast %get3A_81 : vector<1x16xf32> to vector<16xf32>
          %swap3A_83 = arith.index_cast %select_n3A : i32 to index
          %swap3A_84 = arith.constant 0 : index
          %swap3A_85 = tpu.vector_load %arg12[%swap3A_83, %swap3A_84] {strides = array<i32>} : memref<264x256xf32, #tpu.memory_space<vmem>>, vector<1x16xf32>,
          %swap3A_86 = vector.shape_cast %swap3A_85 : vector<1x16xf32> to vector<16xf32>
          %swap3A_87 = vector.shape_cast %get3A_82 : vector<16xf32> to vector<1x16xf32>
          tpu.vector_store %arg12[%swap3A_83, %swap3A_84], %swap3A_87 {add = true, strides = array<i32>} : memref<264x256xf32, #tpu.memory_space<vmem>>, vector<1x16xf32>,
          %get3A_88 = arith.index_cast %scan3A_71 : i32 to index
          %get3A_89 = arith.constant 16 : index
          %get3A_90 = tpu.vector_load %arg11[%get3A_88, %get3A_89] {strides = array<i32>} : memref<32x256xf32, #tpu.memory_space<vmem>>, vector<1x16xf32>,
          %get3A_91 = vector.shape_cast %get3A_90 : vector<1x16xf32> to vector<16xf32>
          %swap3A_92 = arith.index_cast %select_n3A : i32 to index
          %swap3A_93 = arith.constant 16 : index
          %swap3A_94 = tpu.vector_load %arg12[%swap3A_92, %swap3A_93] {strides = array<i32>} : memref<264x256xf32, #tpu.memory_space<vmem>>, vector<1x16xf32>,
          %swap3A_95 = vector.shape_cast %swap3A_94 : vector<1x16xf32> to vector<16xf32>
          %swap3A_96 = vector.shape_cast %get3A_91 : vector<16xf32> to vector<1x16xf32>
          tpu.vector_store %arg12[%swap3A_92, %swap3A_93], %swap3A_96 {add = true, strides = array<i32>} : memref<264x256xf32, #tpu.memory_space<vmem>>, vector<1x16xf32>,
          %get3A_97 = arith.index_cast %scan3A_71 : i32 to index
          %get3A_98 = arith.constant 32 : index
          %get3A_99 = tpu.vector_load %arg11[%get3A_97, %get3A_98] {strides = array<i32>} : memref<32x256xf32, #tpu.memory_space<vmem>>, vector<1x16xf32>,
          %get3A_100 = vector.shape_cast %get3A_99 : vector<1x16xf32> to vector<16xf32>
          %swap3A_101 = arith.index_cast %select_n3A : i32 to index
          %swap3A_102 = arith.constant 32 : index
          %swap3A_103 = tpu.vector_load %arg12[%swap3A_101, %swap3A_102] {strides = array<i32>} : memref<264x256xf32, #tpu.memory_space<vmem>>, vector<1x16xf32>,
          %swap3A_104 = vector.shape_cast %swap3A_103 : vector<1x16xf32> to vector<16xf32>
          %swap3A_105 = vector.shape_cast %get3A_100 : vector<16xf32> to vector<1x16xf32>
          tpu.vector_store %arg12[%swap3A_101, %swap3A_102], %swap3A_105 {add = true, strides = array<i32>} : memref<264x256xf32, #tpu.memory_space<vmem>>, vector<1x16xf32>,
          %get3A_106 = arith.index_cast %scan3A_71 : i32 to index
          %get3A_107 = arith.constant 48 : index
          %get3A_108 = tpu.vector_load %arg11[%get3A_106, %get3A_107] {strides = array<i32>} : memref<32x256xf32, #tpu.memory_space<vmem>>, vector<1x16xf32>,
          %get3A_109 = vector.shape_cast %get3A_108 : vector<1x16xf32> to vector<16xf32>
          %swap3A_110 = arith.index_cast %select_n3A : i32 to index
          %swap3A_111 = arith.constant 48 : index
          %swap3A_112 = tpu.vector_load %arg12[%swap3A_110, %swap3A_111] {strides = array<i32>} : memref<264x256xf32, #tpu.memory_space<vmem>>, vector<1x16xf32>,
          %swap3A_113 = vector.shape_cast %swap3A_112 : vector<1x16xf32> to vector<16xf32>
          %swap3A_114 = vector.shape_cast %get3A_109 : vector<16xf32> to vector<1x16xf32>
          tpu.vector_store %arg12[%swap3A_110, %swap3A_111], %swap3A_114 {add = true, strides = array<i32>} : memref<264x256xf32, #tpu.memory_space<vmem>>, vector<1x16xf32>,
          %get3A_115 = arith.index_cast %scan3A_71 : i32 to index
          %get3A_116 = arith.constant 64 : index
          %get3A_117 = tpu.vector_load %arg11[%get3A_115, %get3A_116] {strides = array<i32>} : memref<32x256xf32, #tpu.memory_space<vmem>>, vector<1x16xf32>,
          %get3A_118 = vector.shape_cast %get3A_117 : vector<1x16xf32> to vector<16xf32>
          %swap3A_119 = arith.index_cast %select_n3A : i32 to index
          %swap3A_120 = arith.constant 64 : index
          %swap3A_121 = tpu.vector_load %arg12[%swap3A_119, %swap3A_120] {strides = array<i32>} : memref<264x256xf32, #tpu.memory_space<vmem>>, vector<1x16xf32>,
          %swap3A_122 = vector.shape_cast %swap3A_121 : vector<1x16xf32> to vector<16xf32>
          %swap3A_123 = vector.shape_cast %get3A_118 : vector<16xf32> to vector<1x16xf32>
          tpu.vector_store %arg12[%swap3A_119, %swap3A_120], %swap3A_123 {add = true, strides = array<i32>} : memref<264x256xf32, #tpu.memory_space<vmem>>, vector<1x16xf32>,
          %get3A_124 = arith.index_cast %scan3A_71 : i32 to index
          %get3A_125 = arith.constant 80 : index
          %get3A_126 = tpu.vector_load %arg11[%get3A_124, %get3A_125] {strides = array<i32>} : memref<32x256xf32, #tpu.memory_space<vmem>>, vector<1x16xf32>,
          %get3A_127 = vector.shape_cast %get3A_126 : vector<1x16xf32> to vector<16xf32>
          %swap3A_128 = arith.index_cast %select_n3A : i32 to index
          %swap3A_129 = arith.constant 80 : index
          %swap3A_130 = tpu.vector_load %arg12[%swap3A_128, %swap3A_129] {strides = array<i32>} : memref<264x256xf32, #tpu.memory_space<vmem>>, vector<1x16xf32>,
          %swap3A_131 = vector.shape_cast %swap3A_130 : vector<1x16xf32> to vector<16xf32>
          %swap3A_132 = vector.shape_cast %get3A_127 : vector<16xf32> to vector<1x16xf32>
          tpu.vector_store %arg12[%swap3A_128, %swap3A_129], %swap3A_132 {add = true, strides = array<i32>} : memref<264x256xf32, #tpu.memory_space<vmem>>, vector<1x16xf32>,
          %get3A_133 = arith.index_cast %scan3A_71 : i32 to index
          %get3A_134 = arith.constant 96 : index
          %get3A_135 = tpu.vector_load %arg11[%get3A_133, %get3A_134] {strides = array<i32>} : memref<32x256xf32, #tpu.memory_space<vmem>>, vector<1x16xf32>,
          %get3A_136 = vector.shape_cast %get3A_135 : vector<1x16xf32> to vector<16xf32>
          %swap3A_137 = arith.index_cast %select_n3A : i32 to index
          %swap3A_138 = arith.constant 96 : index
          %swap3A_139 = tpu.vector_load %arg12[%swap3A_137, %swap3A_138] {strides = array<i32>} : memref<264x256xf32, #tpu.memory_space<vmem>>, vector<1x16xf32>,
          %swap3A_140 = vector.shape_cast %swap3A_139 : vector<1x16xf32> to vector<16xf32>
          %swap3A_141 = vector.shape_cast %get3A_136 : vector<16xf32> to vector<1x16xf32>
          tpu.vector_store %arg12[%swap3A_137, %swap3A_138], %swap3A_141 {add = true, strides = array<i32>} : memref<264x256xf32, #tpu.memory_space<vmem>>, vector<1x16xf32>,
          %get3A_142 = arith.index_cast %scan3A_71 : i32 to index
          %get3A_143 = arith.constant 112 : index
          %get3A_144 = tpu.vector_load %arg11[%get3A_142, %get3A_143] {strides = array<i32>} : memref<32x256xf32, #tpu.memory_space<vmem>>, vector<1x16xf32>,
          %get3A_145 = vector.shape_cast %get3A_144 : vector<1x16xf32> to vector<16xf32>
          %swap3A_146 = arith.index_cast %select_n3A : i32 to index
          %swap3A_147 = arith.constant 112 : index
          %swap3A_148 = tpu.vector_load %arg12[%swap3A_146, %swap3A_147] {strides = array<i32>} : memref<264x256xf32, #tpu.memory_space<vmem>>, vector<1x16xf32>,
          %swap3A_149 = vector.shape_cast %swap3A_148 : vector<1x16xf32> to vector<16xf32>
          %swap3A_150 = vector.shape_cast %get3A_145 : vector<16xf32> to vector<1x16xf32>
          tpu.vector_store %arg12[%swap3A_146, %swap3A_147], %swap3A_150 {add = true, strides = array<i32>} : memref<264x256xf32, #tpu.memory_space<vmem>>, vector<1x16xf32>,
          %get3A_151 = arith.index_cast %scan3A_71 : i32 to index
          %get3A_152 = arith.constant 128 : index
          %get3A_153 = tpu.vector_load %arg11[%get3A_151, %get3A_152] {strides = array<i32>} : memref<32x256xf32, #tpu.memory_space<vmem>>, vector<1x16xf32>,
          %get3A_154 = vector.shape_cast %get3A_153 : vector<1x16xf32> to vector<16xf32>
          %swap3A_155 = arith.index_cast %select_n3A : i32 to index
          %swap3A_156 = arith.constant 128 : index
          %swap3A_157 = tpu.vector_load %arg12[%swap3A_155, %swap3A_156] {strides = array<i32>} : memref<264x256xf32, #tpu.memory_space<vmem>>, vector<1x16xf32>,
          %swap3A_158 = vector.shape_cast %swap3A_157 : vector<1x16xf32> to vector<16xf32>
          %swap3A_159 = vector.shape_cast %get3A_154 : vector<16xf32> to vector<1x16xf32>
          tpu.vector_store %arg12[%swap3A_155, %swap3A_156], %swap3A_159 {add = true, strides = array<i32>} : memref<264x256xf32, #tpu.memory_space<vmem>>, vector<1x16xf32>,
          %get3A_160 = arith.index_cast %scan3A_71 : i32 to index
          %get3A_161 = arith.constant 144 : index
          %get3A_162 = tpu.vector_load %arg11[%get3A_160, %get3A_161] {strides = array<i32>} : memref<32x256xf32, #tpu.memory_space<vmem>>, vector<1x16xf32>,
          %get3A_163 = vector.shape_cast %get3A_162 : vector<1x16xf32> to vector<16xf32>
          %swap3A_164 = arith.index_cast %select_n3A : i32 to index
          %swap3A_165 = arith.constant 144 : index
          %swap3A_166 = tpu.vector_load %arg12[%swap3A_164, %swap3A_165] {strides = array<i32>} : memref<264x256xf32, #tpu.memory_space<vmem>>, vector<1x16xf32>,
          %swap3A_167 = vector.shape_cast %swap3A_166 : vector<1x16xf32> to vector<16xf32>
          %swap3A_168 = vector.shape_cast %get3A_163 : vector<16xf32> to vector<1x16xf32>
          tpu.vector_store %arg12[%swap3A_164, %swap3A_165], %swap3A_168 {add = true, strides = array<i32>} : memref<264x256xf32, #tpu.memory_space<vmem>>, vector<1x16xf32>,
          %get3A_169 = arith.index_cast %scan3A_71 : i32 to index
          %get3A_170 = arith.constant 160 : index
          %get3A_171 = tpu.vector_load %arg11[%get3A_169, %get3A_170] {strides = array<i32>} : memref<32x256xf32, #tpu.memory_space<vmem>>, vector<1x16xf32>,
          %get3A_172 = vector.shape_cast %get3A_171 : vector<1x16xf32> to vector<16xf32>
          %swap3A_173 = arith.index_cast %select_n3A : i32 to index
          %swap3A_174 = arith.constant 160 : index
          %swap3A_175 = tpu.vector_load %arg12[%swap3A_173, %swap3A_174] {strides = array<i32>} : memref<264x256xf32, #tpu.memory_space<vmem>>, vector<1x16xf32>,
          %swap3A_176 = vector.shape_cast %swap3A_175 : vector<1x16xf32> to vector<16xf32>
          %swap3A_177 = vector.shape_cast %get3A_172 : vector<16xf32> to vector<1x16xf32>
          tpu.vector_store %arg12[%swap3A_173, %swap3A_174], %swap3A_177 {add = true, strides = array<i32>} : memref<264x256xf32, #tpu.memory_space<vmem>>, vector<1x16xf32>,
          %get3A_178 = arith.index_cast %scan3A_71 : i32 to index
          %get3A_179 = arith.constant 176 : index
          %get3A_180 = tpu.vector_load %arg11[%get3A_178, %get3A_179] {strides = array<i32>} : memref<32x256xf32, #tpu.memory_space<vmem>>, vector<1x16xf32>,
          %get3A_181 = vector.shape_cast %get3A_180 : vector<1x16xf32> to vector<16xf32>
          %swap3A_182 = arith.index_cast %select_n3A : i32 to index
          %swap3A_183 = arith.constant 176 : index
          %swap3A_184 = tpu.vector_load %arg12[%swap3A_182, %swap3A_183] {strides = array<i32>} : memref<264x256xf32, #tpu.memory_space<vmem>>, vector<1x16xf32>,
          %swap3A_185 = vector.shape_cast %swap3A_184 : vector<1x16xf32> to vector<16xf32>
          %swap3A_186 = vector.shape_cast %get3A_181 : vector<16xf32> to vector<1x16xf32>
          tpu.vector_store %arg12[%swap3A_182, %swap3A_183], %swap3A_186 {add = true, strides = array<i32>} : memref<264x256xf32, #tpu.memory_space<vmem>>, vector<1x16xf32>,
          %get3A_187 = arith.index_cast %scan3A_71 : i32 to index
          %get3A_188 = arith.constant 192 : index
          %get3A_189 = tpu.vector_load %arg11[%get3A_187, %get3A_188] {strides = array<i32>} : memref<32x256xf32, #tpu.memory_space<vmem>>, vector<1x16xf32>,
          %get3A_190 = vector.shape_cast %get3A_189 : vector<1x16xf32> to vector<16xf32>
          %swap3A_191 = arith.index_cast %select_n3A : i32 to index
          %swap3A_192 = arith.constant 192 : index
          %swap3A_193 = tpu.vector_load %arg12[%swap3A_191, %swap3A_192] {strides = array<i32>} : memref<264x256xf32, #tpu.memory_space<vmem>>, vector<1x16xf32>,
          %swap3A_194 = vector.shape_cast %swap3A_193 : vector<1x16xf32> to vector<16xf32>
          %swap3A_195 = vector.shape_cast %get3A_190 : vector<16xf32> to vector<1x16xf32>
          tpu.vector_store %arg12[%swap3A_191, %swap3A_192], %swap3A_195 {add = true, strides = array<i32>} : memref<264x256xf32, #tpu.memory_space<vmem>>, vector<1x16xf32>,
          %get3A_196 = arith.index_cast %scan3A_71 : i32 to index
          %get3A_197 = arith.constant 208 : index
          %get3A_198 = tpu.vector_load %arg11[%get3A_196, %get3A_197] {strides = array<i32>} : memref<32x256xf32, #tpu.memory_space<vmem>>, vector<1x16xf32>,
          %get3A_199 = vector.shape_cast %get3A_198 : vector<1x16xf32> to vector<16xf32>
          %swap3A_200 = arith.index_cast %select_n3A : i32 to index
          %swap3A_201 = arith.constant 208 : index
          %swap3A_202 = tpu.vector_load %arg12[%swap3A_200, %swap3A_201] {strides = array<i32>} : memref<264x256xf32, #tpu.memory_space<vmem>>, vector<1x16xf32>,
          %swap3A_203 = vector.shape_cast %swap3A_202 : vector<1x16xf32> to vector<16xf32>
          %swap3A_204 = vector.shape_cast %get3A_199 : vector<16xf32> to vector<1x16xf32>
          tpu.vector_store %arg12[%swap3A_200, %swap3A_201], %swap3A_204 {add = true, strides = array<i32>} : memref<264x256xf32, #tpu.memory_space<vmem>>, vector<1x16xf32>,
          %get3A_205 = arith.index_cast %scan3A_71 : i32 to index
          %get3A_206 = arith.constant 224 : index
          %get3A_207 = tpu.vector_load %arg11[%get3A_205, %get3A_206] {strides = array<i32>} : memref<32x256xf32, #tpu.memory_space<vmem>>, vector<1x16xf32>,
          %get3A_208 = vector.shape_cast %get3A_207 : vector<1x16xf32> to vector<16xf32>
          %swap3A_209 = arith.index_cast %select_n3A : i32 to index
          %swap3A_210 = arith.constant 224 : index
          %swap3A_211 = tpu.vector_load %arg12[%swap3A_209, %swap3A_210] {strides = array<i32>} : memref<264x256xf32, #tpu.memory_space<vmem>>, vector<1x16xf32>,
          %swap3A_212 = vector.shape_cast %swap3A_211 : vector<1x16xf32> to vector<16xf32>
          %swap3A_213 = vector.shape_cast %get3A_208 : vector<16xf32> to vector<1x16xf32>
          tpu.vector_store %arg12[%swap3A_209, %swap3A_210], %swap3A_213 {add = true, strides = array<i32>} : memref<264x256xf32, #tpu.memory_space<vmem>>, vector<1x16xf32>,
          %get3A_214 = arith.index_cast %scan3A_71 : i32 to index
          %get3A_215 = arith.constant 240 : index
          %get3A_216 = tpu.vector_load %arg11[%get3A_214, %get3A_215] {strides = array<i32>} : memref<32x256xf32, #tpu.memory_space<vmem>>, vector<1x16xf32>,
          %get3A_217 = vector.shape_cast %get3A_216 : vector<1x16xf32> to vector<16xf32>
          %swap3A_218 = arith.index_cast %select_n3A : i32 to index
          %swap3A_219 = arith.constant 240 : index
          %swap3A_220 = tpu.vector_load %arg12[%swap3A_218, %swap3A_219] {strides = array<i32>} : memref<264x256xf32, #tpu.memory_space<vmem>>, vector<1x16xf32>,
          %swap3A_221 = vector.shape_cast %swap3A_220 : vector<1x16xf32> to vector<16xf32>
          %swap3A_222 = vector.shape_cast %get3A_217 : vector<16xf32> to vector<1x16xf32>
          tpu.vector_store %arg12[%swap3A_218, %swap3A_219], %swap3A_222 {add = true, strides = array<i32>} : memref<264x256xf32, #tpu.memory_space<vmem>>, vector<1x16xf32>,
          %swap3A_223 = arith.index_cast %select_n3A : i32 to index
          %swap3A_224 = arith.constant 0 : index
          %swap3A_225 = tpu.vector_load %arg13[%swap3A_223, %swap3A_224] {strides = array<i32>} : memref<264x16xf32, #tpu.memory_space<vmem>>, vector<1x16xf32>,
          %swap3A_226 = vector.shape_cast %swap3A_225 : vector<1x16xf32> to vector<16xf32>
          %swap3A_227 = vector.shape_cast %broadcast_in_dim3A_28 : vector<16xf32> to vector<1x16xf32>
          tpu.vector_store %arg13[%swap3A_223, %swap3A_224], %swap3A_227 {add = true, strides = array<i32>} : memref<264x16xf32, #tpu.memory_space<vmem>>, vector<1x16xf32>,
        }
        %scan3A_70 = arith.constant 32 : i32
      } else {
      }
    }
    %scan3A_34 = arith.constant 512 : i32
    "tpu.region"() ({
      %run_scoped3A = tpu.sem_alloc : memref<!tpu.dma_semaphore, #tpu.memory_space<semaphore_mem>>
      %dma_start3A = arith.constant 0 : i32
      %dma_start3A_35 = arith.constant 0 : i32
      %dma_start3A_36 = tpu.memref_slice %arg12[%dma_start3A, %dma_start3A_35] : memref<264x256xf32, #tpu.memory_space<vmem>> -> memref<256x256xf32, #tpu.memory_space<vmem>>
      %dma_start3A_37 = arith.constant 0 : i32
      %dma_start3A_38 = tpu.memref_slice %arg6[%mul3A_2, %dma_start3A_37] : memref<8192x256xf32, #tpu.memory_space<hbm>> -> memref<256x256xf32, #tpu.memory_space<hbm>>
      %dma_start3A_39 = arith.constant 0 : i32
      %dma_start3A_40 = tpu.memref_slice %arg6[%mul3A_2, %dma_start3A_39] : memref<8192x256xf32, #tpu.memory_space<hbm>> -> memref<256x256xf32, #tpu.memory_space<hbm>>
      %dma_start3A_41 = arith.constant 0 : i32
      %dma_start3A_42 = arith.constant 0 : i32
      %dma_start3A_43 = tpu.memref_slice %arg12[%dma_start3A_41, %dma_start3A_42] : memref<264x256xf32, #tpu.memory_space<vmem>> -> memref<256x256xf32, #tpu.memory_space<vmem>>
      tpu.enqueue_dma source(%dma_start3A_43 : memref<256x256xf32, #tpu.memory_space<vmem>>) target(%dma_start3A_40 : memref<256x256xf32, #tpu.memory_space<hbm>>) target_semaphore(%run_scoped3A : memref<!tpu.dma_semaphore, #tpu.memory_space<semaphore_mem>>)
      %dma_wait3A = arith.constant 0 : i32
      %dma_wait3A_44 = arith.constant 0 : i32
      %dma_wait3A_45 = tpu.memref_slice %arg12[%dma_wait3A, %dma_wait3A_44] : memref<264x256xf32, #tpu.memory_space<vmem>> -> memref<256x256xf32, #tpu.memory_space<vmem>>
      %dma_wait3A_46 = arith.constant 0 : i32
      %dma_wait3A_47 = tpu.memref_slice %arg6[%mul3A_2, %dma_wait3A_46] : memref<8192x256xf32, #tpu.memory_space<hbm>> -> memref<256x256xf32, #tpu.memory_space<hbm>>
      %dma_wait3A_48 = arith.constant 0 : i32
      %dma_wait3A_49 = tpu.memref_slice %arg6[%mul3A_2, %dma_wait3A_48] : memref<8192x256xf32, #tpu.memory_space<hbm>> -> memref<256x256xf32, #tpu.memory_space<hbm>>
      %dma_wait3A_50 = arith.constant 0 : i32
      %dma_wait3A_51 = arith.constant 0 : i32
      %dma_wait3A_52 = tpu.memref_slice %arg12[%dma_wait3A_50, %dma_wait3A_51] : memref<264x256xf32, #tpu.memory_space<vmem>> -> memref<256x256xf32, #tpu.memory_space<vmem>>
      tpu.wait_dma2 semaphore(%run_scoped3A : memref<!tpu.dma_semaphore, #tpu.memory_space<semaphore_mem>>) src(%dma_wait3A_52 : memref<256x256xf32, #tpu.memory_space<vmem>>) dst(%dma_wait3A_49 : memref<256x256xf32, #tpu.memory_space<hbm>>)
      tpu.yield
    }) : () -> ()
    "tpu.region"() ({
      %run_scoped3A = tpu.sem_alloc : memref<!tpu.dma_semaphore, #tpu.memory_space<semaphore_mem>>
      %dma_start3A = arith.constant 0 : i32
      %dma_start3A_35 = arith.constant 0 : i32
      %dma_start3A_36 = tpu.memref_slice %arg13[%dma_start3A, %dma_start3A_35] : memref<264x16xf32, #tpu.memory_space<vmem>> -> memref<256x16xf32, #tpu.memory_space<vmem>>
      %dma_start3A_37 = arith.constant 0 : i32
      %dma_start3A_38 = tpu.memref_slice %arg7[%mul3A_2, %dma_start3A_37] : memref<8192x16xf32, #tpu.memory_space<hbm>> -> memref<256x16xf32, #tpu.memory_space<hbm>>
      %dma_start3A_39 = arith.constant 0 : i32
      %dma_start3A_40 = tpu.memref_slice %arg7[%mul3A_2, %dma_start3A_39] : memref<8192x16xf32, #tpu.memory_space<hbm>> -> memref<256x16xf32, #tpu.memory_space<hbm>>
      %dma_start3A_41 = arith.constant 0 : i32
      %dma_start3A_42 = arith.constant 0 : i32
      %dma_start3A_43 = tpu.memref_slice %arg13[%dma_start3A_41, %dma_start3A_42] : memref<264x16xf32, #tpu.memory_space<vmem>> -> memref<256x16xf32, #tpu.memory_space<vmem>>
      tpu.enqueue_dma source(%dma_start3A_43 : memref<256x16xf32, #tpu.memory_space<vmem>>) target(%dma_start3A_40 : memref<256x16xf32, #tpu.memory_space<hbm>>) target_semaphore(%run_scoped3A : memref<!tpu.dma_semaphore, #tpu.memory_space<semaphore_mem>>)
      %dma_wait3A = arith.constant 0 : i32
      %dma_wait3A_44 = arith.constant 0 : i32
      %dma_wait3A_45 = tpu.memref_slice %arg13[%dma_wait3A, %dma_wait3A_44] : memref<264x16xf32, #tpu.memory_space<vmem>> -> memref<256x16xf32, #tpu.memory_space<vmem>>
      %dma_wait3A_46 = arith.constant 0 : i32
      %dma_wait3A_47 = tpu.memref_slice %arg7[%mul3A_2, %dma_wait3A_46] : memref<8192x16xf32, #tpu.memory_space<hbm>> -> memref<256x16xf32, #tpu.memory_space<hbm>>
      %dma_wait3A_48 = arith.constant 0 : i32
      %dma_wait3A_49 = tpu.memref_slice %arg7[%mul3A_2, %dma_wait3A_48] : memref<8192x16xf32, #tpu.memory_space<hbm>> -> memref<256x16xf32, #tpu.memory_space<hbm>>
      %dma_wait3A_50 = arith.constant 0 : i32
      %dma_wait3A_51 = arith.constant 0 : i32
      %dma_wait3A_52 = tpu.memref_slice %arg13[%dma_wait3A_50, %dma_wait3A_51] : memref<264x16xf32, #tpu.memory_space<vmem>> -> memref<256x16xf32, #tpu.memory_space<vmem>>
      tpu.wait_dma2 semaphore(%run_scoped3A : memref<!tpu.dma_semaphore, #tpu.memory_space<semaphore_mem>>) src(%dma_wait3A_52 : memref<256x16xf32, #tpu.memory_space<vmem>>) dst(%dma_wait3A_49 : memref<256x16xf32, #tpu.memory_space<hbm>>)
      tpu.yield
    }) : () -> ()
    return
  }
}

module attributes {stable_mosaic.version = 14 : i64} {
  func.func @_k2_body(%arg0: i32, %arg1: memref<256x256xf32, #tpu.memory_space<vmem>>, %arg2: memref<8192x256xf32, #tpu.memory_space<vmem>>, %arg3: memref<256x1xi32, #tpu.memory_space<vmem>>, %arg4: memref<256x256xf32, #tpu.memory_space<vmem>>, %arg5: memref<8192x256xf32, #tpu.memory_space<vmem>>) attributes {dimension_semantics = [#tpu.dimension_semantics<arbitrary>], iteration_bounds = array<i64: 64>, scalar_prefetch = 0 : i64, scratch_operands = 1 : i64, tpu.core_type = #tpu.core_type<tc>, window_params = [{transform_indices = @transform_0, window_bounds = array<i64: 256, 256>}, {pipeline_mode = #tpu.pipeline_mode<synchronous>, transform_indices = @transform_1, window_bounds = array<i64: 8192, 256>}, {transform_indices = @transform_2, window_bounds = array<i64: 256, 1>}, {transform_indices = @transform_3, window_bounds = array<i64: 256, 256>}]} {
    %eq3A = arith.constant 0 : i32
    %eq3A_0 = arith.cmpi eq, %arg0, %eq3A : i32
    %convert_element_type3A = arith.extui %eq3A_0 : i1 to i32
    %cond3A = arith.constant 0 : i32
    %cond3A_1 = arith.cmpi ne, %convert_element_type3A, %cond3A : i32
    scf.if %cond3A_1 {
      %get3A_213 = arith.constant 0 : index
      %get3A_214 = arith.constant 0 : index
      %get3A_215 = vector.load %arg2[%get3A_213, %get3A_214] : memref<8192x256xf32, #tpu.memory_space<vmem>>, vector<8192x256xf32>
      %mul3A_216 = arith.mulf %get3A_215, %get3A_215 : vector<8192x256xf32>
      %reduce_sum3A_217 = arith.constant dense<0.000000e+00> : vector<8192xf32>
      %reduce_sum3A_218 = vector.multi_reduction <add>, %mul3A_216, %reduce_sum3A_217 [1] : vector<8192x256xf32> to vector<8192xf32>
      %broadcast_in_dim3A_219 = vector.shape_cast %reduce_sum3A_218 : vector<8192xf32> to vector<8192x1xf32>
      %sqrt3A_220 = math.sqrt %broadcast_in_dim3A_219 : vector<8192x1xf32>
      %max3A_221 = arith.constant 9.99999974E-6 : f32
      %max3A_222 = vector.broadcast %max3A_221 : f32 to vector<8192x1xf32>
      %max3A_223 = arith.maximumf %sqrt3A_220, %max3A_222 : vector<8192x1xf32>
      %div3A_224 = vector.broadcast %max3A_223 : vector<8192x1xf32> to vector<8192x256xf32>
      %div3A_225 = arith.divf %get3A_215, %div3A_224 : vector<8192x256xf32>
      %bitcast_convert_type3A_226 = tpu.bitcast %div3A_225 : vector<8192x256xf32> -> vector<8192x256xi32>
      %add3A_227 = arith.constant 32767 : i32
      %add3A_228 = vector.broadcast %add3A_227 : i32 to vector<8192x256xi32>
      %add3A_229 = arith.addi %bitcast_convert_type3A_226, %add3A_228 : vector<8192x256xi32>
      %shift_right_arithmetic3A_230 = arith.constant 16 : i32
      %shift_right_arithmetic3A_231 = vector.broadcast %shift_right_arithmetic3A_230 : i32 to vector<8192x256xi32>
      %shift_right_arithmetic3A_232 = arith.shrsi %bitcast_convert_type3A_226, %shift_right_arithmetic3A_231 : vector<8192x256xi32>
      %and3A_233 = arith.constant 1 : i32
      %and3A_234 = vector.broadcast %and3A_233 : i32 to vector<8192x256xi32>
      %and3A_235 = arith.andi %shift_right_arithmetic3A_232, %and3A_234 : vector<8192x256xi32>
      %add3A_236 = arith.addi %add3A_229, %and3A_235 : vector<8192x256xi32>
      %and3A_237 = arith.constant -65536 : i32
      %and3A_238 = vector.broadcast %and3A_237 : i32 to vector<8192x256xi32>
      %and3A_239 = arith.andi %add3A_236, %and3A_238 : vector<8192x256xi32>
      %bitcast_convert_type3A_240 = tpu.bitcast %and3A_239 : vector<8192x256xi32> -> vector<8192x256xf32>
      %swap3A_241 = arith.constant 0 : index
      %swap3A_242 = arith.constant 0 : index
      %swap3A_243 = vector.load %arg5[%swap3A_241, %swap3A_242] : memref<8192x256xf32, #tpu.memory_space<vmem>>, vector<8192x256xf32>
      tpu.vector_store %arg5[%swap3A_241, %swap3A_242], %bitcast_convert_type3A_240 {strides = array<i32>} : memref<8192x256xf32, #tpu.memory_space<vmem>>, vector<8192x256xf32>,
    } else {
    }
    %get3A = arith.constant 0 : index
    %get3A_2 = arith.constant 0 : index
    %get3A_3 = vector.load %arg1[%get3A, %get3A_2] : memref<256x256xf32, #tpu.memory_space<vmem>>, vector<256x256xf32>
    %mul3A = arith.mulf %get3A_3, %get3A_3 : vector<256x256xf32>
    %reduce_sum3A = arith.constant dense<0.000000e+00> : vector<256xf32>
    %reduce_sum3A_4 = vector.multi_reduction <add>, %mul3A, %reduce_sum3A [1] : vector<256x256xf32> to vector<256xf32>
    %broadcast_in_dim3A = vector.shape_cast %reduce_sum3A_4 : vector<256xf32> to vector<256x1xf32>
    %sqrt3A = math.sqrt %broadcast_in_dim3A : vector<256x1xf32>
    %max3A = arith.constant 9.99999974E-6 : f32
    %max3A_5 = vector.broadcast %max3A : f32 to vector<256x1xf32>
    %max3A_6 = arith.maximumf %sqrt3A, %max3A_5 : vector<256x1xf32>
    %div3A = vector.broadcast %max3A_6 : vector<256x1xf32> to vector<256x256xf32>
    %div3A_7 = arith.divf %get3A_3, %div3A : vector<256x256xf32>
    %swap3A = arith.constant 0 : index
    %swap3A_8 = arith.constant 0 : index
    %swap3A_9 = vector.load %arg4[%swap3A, %swap3A_8] : memref<256x256xf32, #tpu.memory_space<vmem>>, vector<256x256xf32>
    tpu.vector_store %arg4[%swap3A, %swap3A_8], %div3A_7 {strides = array<i32>} : memref<256x256xf32, #tpu.memory_space<vmem>>, vector<256x256xf32>,
    %bitcast_convert_type3A = tpu.bitcast %div3A_7 : vector<256x256xf32> -> vector<256x256xi32>
    %add3A = arith.constant 32767 : i32
    %add3A_10 = vector.broadcast %add3A : i32 to vector<256x256xi32>
    %add3A_11 = arith.addi %bitcast_convert_type3A, %add3A_10 : vector<256x256xi32>
    %shift_right_arithmetic3A = arith.constant 16 : i32
    %shift_right_arithmetic3A_12 = vector.broadcast %shift_right_arithmetic3A : i32 to vector<256x256xi32>
    %shift_right_arithmetic3A_13 = arith.shrsi %bitcast_convert_type3A, %shift_right_arithmetic3A_12 : vector<256x256xi32>
    %and3A = arith.constant 1 : i32
    %and3A_14 = vector.broadcast %and3A : i32 to vector<256x256xi32>
    %and3A_15 = arith.andi %shift_right_arithmetic3A_13, %and3A_14 : vector<256x256xi32>
    %add3A_16 = arith.addi %add3A_11, %and3A_15 : vector<256x256xi32>
    %and3A_17 = arith.constant -65536 : i32
    %and3A_18 = vector.broadcast %and3A_17 : i32 to vector<256x256xi32>
    %and3A_19 = arith.andi %add3A_16, %and3A_18 : vector<256x256xi32>
    %bitcast_convert_type3A_20 = tpu.bitcast %and3A_19 : vector<256x256xi32> -> vector<256x256xf32>
    %convert_element_type3A_21 = arith.truncf %bitcast_convert_type3A_20 : vector<256x256xf32> to vector<256x256xbf16>
    %broadcast_in_dim3A_22 = arith.constant 0xFF800000 : f32
    %broadcast_in_dim3A_23 = vector.broadcast %broadcast_in_dim3A_22 : f32 to vector<256x1xf32>
    %broadcast_in_dim3A_24 = arith.constant 0 : i32
    %broadcast_in_dim3A_25 = vector.broadcast %broadcast_in_dim3A_24 : i32 to vector<256x1xi32>
    %get3A_26 = arith.constant 0 : index
    %get3A_27 = arith.constant 0 : index
    %get3A_28 = vector.load %arg5[%get3A_26, %get3A_27] : memref<8192x256xf32, #tpu.memory_space<vmem>>, vector<1024x256xf32>
    %convert_element_type3A_29 = arith.truncf %get3A_28 : vector<1024x256xf32> to vector<1024x256xbf16>
    %dot_general3A = arith.constant dense<0.000000e+00> : vector<256x1024xf32>
    %dot_general3A_30 = tpu.matmul %convert_element_type3A_21, %convert_element_type3A_29, %dot_general3A {dimension_numbers = #tpu.dot_dimension_numbers<[1], [1], [0], [0], [0, 0, 1, 0], [], []>, transpose_lhs_hint = false} : vector<256x256xbf16>, vector<1024x256xbf16>, vector<256x1024xf32> -> vector<256x1024xf32>
    %reduce_max3A = arith.constant dense<0xFF800000> : vector<256xf32>
    %reduce_max3A_31 = vector.multi_reduction <maximumf>, %dot_general3A_30, %reduce_max3A [1] : vector<256x1024xf32> to vector<256xf32>
    %broadcast_in_dim3A_32 = vector.shape_cast %reduce_max3A_31 : vector<256xf32> to vector<256x1xf32>
    %iota3A = tpu.iota {dimensions = array<i32: 1>} : vector<256x1024xi32>
    %add3A_33 = arith.constant 0 : i32
    %add3A_34 = vector.broadcast %add3A_33 : i32 to vector<256x1024xi32>
    %add3A_35 = arith.addi %iota3A, %add3A_34 : vector<256x1024xi32>
    %eq3A_36 = vector.broadcast %broadcast_in_dim3A_32 : vector<256x1xf32> to vector<256x1024xf32>
    %eq3A_37 = arith.cmpf oeq, %dot_general3A_30, %eq3A_36 : vector<256x1024xf32>
    %jit3A = arith.constant 8192 : i32
    %broadcast_in_dim3A_38 = vector.broadcast %jit3A : i32 to vector<256x1024xi32>
    %select_n3A = arith.select %eq3A_37, %add3A_35, %broadcast_in_dim3A_38 : vector<256x1024xi1>, vector<256x1024xi32>
    %reduce_min3A = arith.constant dense<2147483647> : vector<256xi32>
    %reduce_min3A_39 = vector.multi_reduction <minsi>, %select_n3A, %reduce_min3A [1] : vector<256x1024xi32> to vector<256xi32>
    %broadcast_in_dim3A_40 = vector.shape_cast %reduce_min3A_39 : vector<256xi32> to vector<256x1xi32>
    %gt3A = arith.cmpf ogt, %broadcast_in_dim3A_32, %broadcast_in_dim3A_23 : vector<256x1xf32>
    %select_n3A_41 = arith.select %gt3A, %broadcast_in_dim3A_40, %broadcast_in_dim3A_25 : vector<256x1xi1>, vector<256x1xi32>
    %max3A_42 = arith.maximumf %broadcast_in_dim3A_23, %broadcast_in_dim3A_32 : vector<256x1xf32>
    %get3A_43 = arith.constant 1024 : index
    %get3A_44 = arith.constant 0 : index
    %get3A_45 = vector.load %arg5[%get3A_43, %get3A_44] : memref<8192x256xf32, #tpu.memory_space<vmem>>, vector<1024x256xf32>
    %convert_element_type3A_46 = arith.truncf %get3A_45 : vector<1024x256xf32> to vector<1024x256xbf16>
    %dot_general3A_47 = arith.constant dense<0.000000e+00> : vector<256x1024xf32>
    %dot_general3A_48 = tpu.matmul %convert_element_type3A_21, %convert_element_type3A_46, %dot_general3A_47 {dimension_numbers = #tpu.dot_dimension_numbers<[1], [1], [0], [0], [0, 0, 1, 0], [], []>, transpose_lhs_hint = false} : vector<256x256xbf16>, vector<1024x256xbf16>, vector<256x1024xf32> -> vector<256x1024xf32>
    %reduce_max3A_49 = arith.constant dense<0xFF800000> : vector<256xf32>
    %reduce_max3A_50 = vector.multi_reduction <maximumf>, %dot_general3A_48, %reduce_max3A_49 [1] : vector<256x1024xf32> to vector<256xf32>
    %broadcast_in_dim3A_51 = vector.shape_cast %reduce_max3A_50 : vector<256xf32> to vector<256x1xf32>
    %iota3A_52 = tpu.iota {dimensions = array<i32: 1>} : vector<256x1024xi32>
    %add3A_53 = arith.constant 1024 : i32
    %add3A_54 = vector.broadcast %add3A_53 : i32 to vector<256x1024xi32>
    %add3A_55 = arith.addi %iota3A_52, %add3A_54 : vector<256x1024xi32>
    %eq3A_56 = vector.broadcast %broadcast_in_dim3A_51 : vector<256x1xf32> to vector<256x1024xf32>
    %eq3A_57 = arith.cmpf oeq, %dot_general3A_48, %eq3A_56 : vector<256x1024xf32>
    %jit3A_58 = arith.constant 8192 : i32
    %broadcast_in_dim3A_59 = vector.broadcast %jit3A_58 : i32 to vector<256x1024xi32>
    %select_n3A_60 = arith.select %eq3A_57, %add3A_55, %broadcast_in_dim3A_59 : vector<256x1024xi1>, vector<256x1024xi32>
    %reduce_min3A_61 = arith.constant dense<2147483647> : vector<256xi32>
    %reduce_min3A_62 = vector.multi_reduction <minsi>, %select_n3A_60, %reduce_min3A_61 [1] : vector<256x1024xi32> to vector<256xi32>
    %broadcast_in_dim3A_63 = vector.shape_cast %reduce_min3A_62 : vector<256xi32> to vector<256x1xi32>
    %gt3A_64 = arith.cmpf ogt, %broadcast_in_dim3A_51, %max3A_42 : vector<256x1xf32>
    %select_n3A_65 = arith.select %gt3A_64, %broadcast_in_dim3A_63, %select_n3A_41 : vector<256x1xi1>, vector<256x1xi32>
    %max3A_66 = arith.maximumf %max3A_42, %broadcast_in_dim3A_51 : vector<256x1xf32>
    %get3A_67 = arith.constant 2048 : index
    %get3A_68 = arith.constant 0 : index
    %get3A_69 = vector.load %arg5[%get3A_67, %get3A_68] : memref<8192x256xf32, #tpu.memory_space<vmem>>, vector<1024x256xf32>
    %convert_element_type3A_70 = arith.truncf %get3A_69 : vector<1024x256xf32> to vector<1024x256xbf16>
    %dot_general3A_71 = arith.constant dense<0.000000e+00> : vector<256x1024xf32>
    %dot_general3A_72 = tpu.matmul %convert_element_type3A_21, %convert_element_type3A_70, %dot_general3A_71 {dimension_numbers = #tpu.dot_dimension_numbers<[1], [1], [0], [0], [0, 0, 1, 0], [], []>, transpose_lhs_hint = false} : vector<256x256xbf16>, vector<1024x256xbf16>, vector<256x1024xf32> -> vector<256x1024xf32>
    %reduce_max3A_73 = arith.constant dense<0xFF800000> : vector<256xf32>
    %reduce_max3A_74 = vector.multi_reduction <maximumf>, %dot_general3A_72, %reduce_max3A_73 [1] : vector<256x1024xf32> to vector<256xf32>
    %broadcast_in_dim3A_75 = vector.shape_cast %reduce_max3A_74 : vector<256xf32> to vector<256x1xf32>
    %iota3A_76 = tpu.iota {dimensions = array<i32: 1>} : vector<256x1024xi32>
    %add3A_77 = arith.constant 2048 : i32
    %add3A_78 = vector.broadcast %add3A_77 : i32 to vector<256x1024xi32>
    %add3A_79 = arith.addi %iota3A_76, %add3A_78 : vector<256x1024xi32>
    %eq3A_80 = vector.broadcast %broadcast_in_dim3A_75 : vector<256x1xf32> to vector<256x1024xf32>
    %eq3A_81 = arith.cmpf oeq, %dot_general3A_72, %eq3A_80 : vector<256x1024xf32>
    %jit3A_82 = arith.constant 8192 : i32
    %broadcast_in_dim3A_83 = vector.broadcast %jit3A_82 : i32 to vector<256x1024xi32>
    %select_n3A_84 = arith.select %eq3A_81, %add3A_79, %broadcast_in_dim3A_83 : vector<256x1024xi1>, vector<256x1024xi32>
    %reduce_min3A_85 = arith.constant dense<2147483647> : vector<256xi32>
    %reduce_min3A_86 = vector.multi_reduction <minsi>, %select_n3A_84, %reduce_min3A_85 [1] : vector<256x1024xi32> to vector<256xi32>
    %broadcast_in_dim3A_87 = vector.shape_cast %reduce_min3A_86 : vector<256xi32> to vector<256x1xi32>
    %gt3A_88 = arith.cmpf ogt, %broadcast_in_dim3A_75, %max3A_66 : vector<256x1xf32>
    %select_n3A_89 = arith.select %gt3A_88, %broadcast_in_dim3A_87, %select_n3A_65 : vector<256x1xi1>, vector<256x1xi32>
    %max3A_90 = arith.maximumf %max3A_66, %broadcast_in_dim3A_75 : vector<256x1xf32>
    %get3A_91 = arith.constant 3072 : index
    %get3A_92 = arith.constant 0 : index
    %get3A_93 = vector.load %arg5[%get3A_91, %get3A_92] : memref<8192x256xf32, #tpu.memory_space<vmem>>, vector<1024x256xf32>
    %convert_element_type3A_94 = arith.truncf %get3A_93 : vector<1024x256xf32> to vector<1024x256xbf16>
    %dot_general3A_95 = arith.constant dense<0.000000e+00> : vector<256x1024xf32>
    %dot_general3A_96 = tpu.matmul %convert_element_type3A_21, %convert_element_type3A_94, %dot_general3A_95 {dimension_numbers = #tpu.dot_dimension_numbers<[1], [1], [0], [0], [0, 0, 1, 0], [], []>, transpose_lhs_hint = false} : vector<256x256xbf16>, vector<1024x256xbf16>, vector<256x1024xf32> -> vector<256x1024xf32>
    %reduce_max3A_97 = arith.constant dense<0xFF800000> : vector<256xf32>
    %reduce_max3A_98 = vector.multi_reduction <maximumf>, %dot_general3A_96, %reduce_max3A_97 [1] : vector<256x1024xf32> to vector<256xf32>
    %broadcast_in_dim3A_99 = vector.shape_cast %reduce_max3A_98 : vector<256xf32> to vector<256x1xf32>
    %iota3A_100 = tpu.iota {dimensions = array<i32: 1>} : vector<256x1024xi32>
    %add3A_101 = arith.constant 3072 : i32
    %add3A_102 = vector.broadcast %add3A_101 : i32 to vector<256x1024xi32>
    %add3A_103 = arith.addi %iota3A_100, %add3A_102 : vector<256x1024xi32>
    %eq3A_104 = vector.broadcast %broadcast_in_dim3A_99 : vector<256x1xf32> to vector<256x1024xf32>
    %eq3A_105 = arith.cmpf oeq, %dot_general3A_96, %eq3A_104 : vector<256x1024xf32>
    %jit3A_106 = arith.constant 8192 : i32
    %broadcast_in_dim3A_107 = vector.broadcast %jit3A_106 : i32 to vector<256x1024xi32>
    %select_n3A_108 = arith.select %eq3A_105, %add3A_103, %broadcast_in_dim3A_107 : vector<256x1024xi1>, vector<256x1024xi32>
    %reduce_min3A_109 = arith.constant dense<2147483647> : vector<256xi32>
    %reduce_min3A_110 = vector.multi_reduction <minsi>, %select_n3A_108, %reduce_min3A_109 [1] : vector<256x1024xi32> to vector<256xi32>
    %broadcast_in_dim3A_111 = vector.shape_cast %reduce_min3A_110 : vector<256xi32> to vector<256x1xi32>
    %gt3A_112 = arith.cmpf ogt, %broadcast_in_dim3A_99, %max3A_90 : vector<256x1xf32>
    %select_n3A_113 = arith.select %gt3A_112, %broadcast_in_dim3A_111, %select_n3A_89 : vector<256x1xi1>, vector<256x1xi32>
    %max3A_114 = arith.maximumf %max3A_90, %broadcast_in_dim3A_99 : vector<256x1xf32>
    %get3A_115 = arith.constant 4096 : index
    %get3A_116 = arith.constant 0 : index
    %get3A_117 = vector.load %arg5[%get3A_115, %get3A_116] : memref<8192x256xf32, #tpu.memory_space<vmem>>, vector<1024x256xf32>
    %convert_element_type3A_118 = arith.truncf %get3A_117 : vector<1024x256xf32> to vector<1024x256xbf16>
    %dot_general3A_119 = arith.constant dense<0.000000e+00> : vector<256x1024xf32>
    %dot_general3A_120 = tpu.matmul %convert_element_type3A_21, %convert_element_type3A_118, %dot_general3A_119 {dimension_numbers = #tpu.dot_dimension_numbers<[1], [1], [0], [0], [0, 0, 1, 0], [], []>, transpose_lhs_hint = false} : vector<256x256xbf16>, vector<1024x256xbf16>, vector<256x1024xf32> -> vector<256x1024xf32>
    %reduce_max3A_121 = arith.constant dense<0xFF800000> : vector<256xf32>
    %reduce_max3A_122 = vector.multi_reduction <maximumf>, %dot_general3A_120, %reduce_max3A_121 [1] : vector<256x1024xf32> to vector<256xf32>
    %broadcast_in_dim3A_123 = vector.shape_cast %reduce_max3A_122 : vector<256xf32> to vector<256x1xf32>
    %iota3A_124 = tpu.iota {dimensions = array<i32: 1>} : vector<256x1024xi32>
    %add3A_125 = arith.constant 4096 : i32
    %add3A_126 = vector.broadcast %add3A_125 : i32 to vector<256x1024xi32>
    %add3A_127 = arith.addi %iota3A_124, %add3A_126 : vector<256x1024xi32>
    %eq3A_128 = vector.broadcast %broadcast_in_dim3A_123 : vector<256x1xf32> to vector<256x1024xf32>
    %eq3A_129 = arith.cmpf oeq, %dot_general3A_120, %eq3A_128 : vector<256x1024xf32>
    %jit3A_130 = arith.constant 8192 : i32
    %broadcast_in_dim3A_131 = vector.broadcast %jit3A_130 : i32 to vector<256x1024xi32>
    %select_n3A_132 = arith.select %eq3A_129, %add3A_127, %broadcast_in_dim3A_131 : vector<256x1024xi1>, vector<256x1024xi32>
    %reduce_min3A_133 = arith.constant dense<2147483647> : vector<256xi32>
    %reduce_min3A_134 = vector.multi_reduction <minsi>, %select_n3A_132, %reduce_min3A_133 [1] : vector<256x1024xi32> to vector<256xi32>
    %broadcast_in_dim3A_135 = vector.shape_cast %reduce_min3A_134 : vector<256xi32> to vector<256x1xi32>
    %gt3A_136 = arith.cmpf ogt, %broadcast_in_dim3A_123, %max3A_114 : vector<256x1xf32>
    %select_n3A_137 = arith.select %gt3A_136, %broadcast_in_dim3A_135, %select_n3A_113 : vector<256x1xi1>, vector<256x1xi32>
    %max3A_138 = arith.maximumf %max3A_114, %broadcast_in_dim3A_123 : vector<256x1xf32>
    %get3A_139 = arith.constant 5120 : index
    %get3A_140 = arith.constant 0 : index
    %get3A_141 = vector.load %arg5[%get3A_139, %get3A_140] : memref<8192x256xf32, #tpu.memory_space<vmem>>, vector<1024x256xf32>
    %convert_element_type3A_142 = arith.truncf %get3A_141 : vector<1024x256xf32> to vector<1024x256xbf16>
    %dot_general3A_143 = arith.constant dense<0.000000e+00> : vector<256x1024xf32>
    %dot_general3A_144 = tpu.matmul %convert_element_type3A_21, %convert_element_type3A_142, %dot_general3A_143 {dimension_numbers = #tpu.dot_dimension_numbers<[1], [1], [0], [0], [0, 0, 1, 0], [], []>, transpose_lhs_hint = false} : vector<256x256xbf16>, vector<1024x256xbf16>, vector<256x1024xf32> -> vector<256x1024xf32>
    %reduce_max3A_145 = arith.constant dense<0xFF800000> : vector<256xf32>
    %reduce_max3A_146 = vector.multi_reduction <maximumf>, %dot_general3A_144, %reduce_max3A_145 [1] : vector<256x1024xf32> to vector<256xf32>
    %broadcast_in_dim3A_147 = vector.shape_cast %reduce_max3A_146 : vector<256xf32> to vector<256x1xf32>
    %iota3A_148 = tpu.iota {dimensions = array<i32: 1>} : vector<256x1024xi32>
    %add3A_149 = arith.constant 5120 : i32
    %add3A_150 = vector.broadcast %add3A_149 : i32 to vector<256x1024xi32>
    %add3A_151 = arith.addi %iota3A_148, %add3A_150 : vector<256x1024xi32>
    %eq3A_152 = vector.broadcast %broadcast_in_dim3A_147 : vector<256x1xf32> to vector<256x1024xf32>
    %eq3A_153 = arith.cmpf oeq, %dot_general3A_144, %eq3A_152 : vector<256x1024xf32>
    %jit3A_154 = arith.constant 8192 : i32
    %broadcast_in_dim3A_155 = vector.broadcast %jit3A_154 : i32 to vector<256x1024xi32>
    %select_n3A_156 = arith.select %eq3A_153, %add3A_151, %broadcast_in_dim3A_155 : vector<256x1024xi1>, vector<256x1024xi32>
    %reduce_min3A_157 = arith.constant dense<2147483647> : vector<256xi32>
    %reduce_min3A_158 = vector.multi_reduction <minsi>, %select_n3A_156, %reduce_min3A_157 [1] : vector<256x1024xi32> to vector<256xi32>
    %broadcast_in_dim3A_159 = vector.shape_cast %reduce_min3A_158 : vector<256xi32> to vector<256x1xi32>
    %gt3A_160 = arith.cmpf ogt, %broadcast_in_dim3A_147, %max3A_138 : vector<256x1xf32>
    %select_n3A_161 = arith.select %gt3A_160, %broadcast_in_dim3A_159, %select_n3A_137 : vector<256x1xi1>, vector<256x1xi32>
    %max3A_162 = arith.maximumf %max3A_138, %broadcast_in_dim3A_147 : vector<256x1xf32>
    %get3A_163 = arith.constant 6144 : index
    %get3A_164 = arith.constant 0 : index
    %get3A_165 = vector.load %arg5[%get3A_163, %get3A_164] : memref<8192x256xf32, #tpu.memory_space<vmem>>, vector<1024x256xf32>
    %convert_element_type3A_166 = arith.truncf %get3A_165 : vector<1024x256xf32> to vector<1024x256xbf16>
    %dot_general3A_167 = arith.constant dense<0.000000e+00> : vector<256x1024xf32>
    %dot_general3A_168 = tpu.matmul %convert_element_type3A_21, %convert_element_type3A_166, %dot_general3A_167 {dimension_numbers = #tpu.dot_dimension_numbers<[1], [1], [0], [0], [0, 0, 1, 0], [], []>, transpose_lhs_hint = false} : vector<256x256xbf16>, vector<1024x256xbf16>, vector<256x1024xf32> -> vector<256x1024xf32>
    %reduce_max3A_169 = arith.constant dense<0xFF800000> : vector<256xf32>
    %reduce_max3A_170 = vector.multi_reduction <maximumf>, %dot_general3A_168, %reduce_max3A_169 [1] : vector<256x1024xf32> to vector<256xf32>
    %broadcast_in_dim3A_171 = vector.shape_cast %reduce_max3A_170 : vector<256xf32> to vector<256x1xf32>
    %iota3A_172 = tpu.iota {dimensions = array<i32: 1>} : vector<256x1024xi32>
    %add3A_173 = arith.constant 6144 : i32
    %add3A_174 = vector.broadcast %add3A_173 : i32 to vector<256x1024xi32>
    %add3A_175 = arith.addi %iota3A_172, %add3A_174 : vector<256x1024xi32>
    %eq3A_176 = vector.broadcast %broadcast_in_dim3A_171 : vector<256x1xf32> to vector<256x1024xf32>
    %eq3A_177 = arith.cmpf oeq, %dot_general3A_168, %eq3A_176 : vector<256x1024xf32>
    %jit3A_178 = arith.constant 8192 : i32
    %broadcast_in_dim3A_179 = vector.broadcast %jit3A_178 : i32 to vector<256x1024xi32>
    %select_n3A_180 = arith.select %eq3A_177, %add3A_175, %broadcast_in_dim3A_179 : vector<256x1024xi1>, vector<256x1024xi32>
    %reduce_min3A_181 = arith.constant dense<2147483647> : vector<256xi32>
    %reduce_min3A_182 = vector.multi_reduction <minsi>, %select_n3A_180, %reduce_min3A_181 [1] : vector<256x1024xi32> to vector<256xi32>
    %broadcast_in_dim3A_183 = vector.shape_cast %reduce_min3A_182 : vector<256xi32> to vector<256x1xi32>
    %gt3A_184 = arith.cmpf ogt, %broadcast_in_dim3A_171, %max3A_162 : vector<256x1xf32>
    %select_n3A_185 = arith.select %gt3A_184, %broadcast_in_dim3A_183, %select_n3A_161 : vector<256x1xi1>, vector<256x1xi32>
    %max3A_186 = arith.maximumf %max3A_162, %broadcast_in_dim3A_171 : vector<256x1xf32>
    %get3A_187 = arith.constant 7168 : index
    %get3A_188 = arith.constant 0 : index
    %get3A_189 = vector.load %arg5[%get3A_187, %get3A_188] : memref<8192x256xf32, #tpu.memory_space<vmem>>, vector<1024x256xf32>
    %convert_element_type3A_190 = arith.truncf %get3A_189 : vector<1024x256xf32> to vector<1024x256xbf16>
    %dot_general3A_191 = arith.constant dense<0.000000e+00> : vector<256x1024xf32>
    %dot_general3A_192 = tpu.matmul %convert_element_type3A_21, %convert_element_type3A_190, %dot_general3A_191 {dimension_numbers = #tpu.dot_dimension_numbers<[1], [1], [0], [0], [0, 0, 1, 0], [], []>, transpose_lhs_hint = false} : vector<256x256xbf16>, vector<1024x256xbf16>, vector<256x1024xf32> -> vector<256x1024xf32>
    %reduce_max3A_193 = arith.constant dense<0xFF800000> : vector<256xf32>
    %reduce_max3A_194 = vector.multi_reduction <maximumf>, %dot_general3A_192, %reduce_max3A_193 [1] : vector<256x1024xf32> to vector<256xf32>
    %broadcast_in_dim3A_195 = vector.shape_cast %reduce_max3A_194 : vector<256xf32> to vector<256x1xf32>
    %iota3A_196 = tpu.iota {dimensions = array<i32: 1>} : vector<256x1024xi32>
    %add3A_197 = arith.constant 7168 : i32
    %add3A_198 = vector.broadcast %add3A_197 : i32 to vector<256x1024xi32>
    %add3A_199 = arith.addi %iota3A_196, %add3A_198 : vector<256x1024xi32>
    %eq3A_200 = vector.broadcast %broadcast_in_dim3A_195 : vector<256x1xf32> to vector<256x1024xf32>
    %eq3A_201 = arith.cmpf oeq, %dot_general3A_192, %eq3A_200 : vector<256x1024xf32>
    %jit3A_202 = arith.constant 8192 : i32
    %broadcast_in_dim3A_203 = vector.broadcast %jit3A_202 : i32 to vector<256x1024xi32>
    %select_n3A_204 = arith.select %eq3A_201, %add3A_199, %broadcast_in_dim3A_203 : vector<256x1024xi1>, vector<256x1024xi32>
    %reduce_min3A_205 = arith.constant dense<2147483647> : vector<256xi32>
    %reduce_min3A_206 = vector.multi_reduction <minsi>, %select_n3A_204, %reduce_min3A_205 [1] : vector<256x1024xi32> to vector<256xi32>
    %broadcast_in_dim3A_207 = vector.shape_cast %reduce_min3A_206 : vector<256xi32> to vector<256x1xi32>
    %gt3A_208 = arith.cmpf ogt, %broadcast_in_dim3A_195, %max3A_186 : vector<256x1xf32>
    %select_n3A_209 = arith.select %gt3A_208, %broadcast_in_dim3A_207, %select_n3A_185 : vector<256x1xi1>, vector<256x1xi32>
    %swap3A_210 = arith.constant 0 : index
    %swap3A_211 = arith.constant 0 : index
    %swap3A_212 = vector.load %arg3[%swap3A_210, %swap3A_211] : memref<256x1xi32, #tpu.memory_space<vmem>>, vector<256x1xi32>
    tpu.vector_store %arg3[%swap3A_210, %swap3A_211], %select_n3A_209 {strides = array<i32>} : memref<256x1xi32, #tpu.memory_space<vmem>>, vector<256x1xi32>,
    return
  }
  func.func @transform_0(%arg0: i32) -> (i32, i32) {
    %c0_i32 = arith.constant 0 : i32
    %c0_i32_0 = arith.constant 0 : i32
    return %arg0, %c0_i32 : i32, i32
  }
  func.func @transform_1(%arg0: i32) -> (i32, i32) {
    %c0_i32 = arith.constant 0 : i32
    %c0_i32_0 = arith.constant 0 : i32
    %c0_i32_1 = arith.constant 0 : i32
    return %c0_i32, %c0_i32_0 : i32, i32
  }
  func.func @transform_2(%arg0: i32) -> (i32, i32) {
    %c0_i32 = arith.constant 0 : i32
    %c0_i32_0 = arith.constant 0 : i32
    return %arg0, %c0_i32 : i32, i32
  }
  func.func @transform_3(%arg0: i32) -> (i32, i32) {
    %c0_i32 = arith.constant 0 : i32
    %c0_i32_0 = arith.constant 0 : i32
    return %arg0, %c0_i32 : i32, i32
  }
}

module attributes {stable_mosaic.version = 14 : i64} {
  func.func @_k4_body(%arg0: memref<8192x16xf32, #tpu.memory_space<vmem>>, %arg1: memref<8192x1xf32, #tpu.memory_space<vmem>>, %arg2: memref<8192x256xf32, #tpu.memory_space<vmem>>, %arg3: memref<8192x256xf32, #tpu.memory_space<vmem>>, %arg4: memref<8192x256xf32, #tpu.memory_space<vmem>>) attributes {dimension_semantics = [], scalar_prefetch = 0 : i64, scratch_operands = 0 : i64, tpu.core_type = #tpu.core_type<tc>} {
    %get3A = arith.constant 0 : index
    %get3A_0 = arith.constant 0 : index
    %get3A_1 = vector.load %arg0[%get3A, %get3A_0] : memref<8192x16xf32, #tpu.memory_space<vmem>>, vector<8192x1xf32>
    %get3A_2 = arith.constant 0 : index
    %get3A_3 = arith.constant 0 : index
    %get3A_4 = vector.load %arg1[%get3A_2, %get3A_3] : memref<8192x1xf32, #tpu.memory_space<vmem>>, vector<8192x1xf32>
    %mul3A = arith.constant 9.900000e-01 : f32
    %mul3A_5 = vector.broadcast %mul3A : f32 to vector<8192x1xf32>
    %mul3A_6 = arith.mulf %get3A_4, %mul3A_5 : vector<8192x1xf32>
    %mul3A_7 = arith.constant 0.00999999977 : f32
    %mul3A_8 = vector.broadcast %mul3A_7 : f32 to vector<8192x1xf32>
    %mul3A_9 = arith.mulf %get3A_1, %mul3A_8 : vector<8192x1xf32>
    %add3A = arith.addf %mul3A_6, %mul3A_9 : vector<8192x1xf32>
    %reduce_sum3A = vector.shape_cast %add3A : vector<8192x1xf32> to vector<1x8192x1xf32>
    %reduce_sum3A_10 = arith.constant dense<0.000000e+00> : vector<1xf32>
    %reduce_sum3A_11 = vector.multi_reduction <add>, %reduce_sum3A, %reduce_sum3A_10 [1, 2] : vector<1x8192x1xf32> to vector<1xf32>
    %reduce_sum3A_12 = vector.shape_cast %reduce_sum3A_11 : vector<1xf32> to vector<1x1x1xf32>
    %reduce_sum3A_13 = vector.extract %reduce_sum3A_12[0, 0, 0] : f32 from vector<1x1x1xf32>
    %add3A_14 = arith.constant 9.99999974E-6 : f32
    %add3A_15 = vector.broadcast %add3A_14 : f32 to vector<8192x1xf32>
    %add3A_16 = arith.addf %add3A, %add3A_15 : vector<8192x1xf32>
    %add3A_17 = arith.constant 0.0819199979 : f32
    %add3A_18 = arith.addf %reduce_sum3A_13, %add3A_17 : f32
    %div3A = vector.broadcast %add3A_18 : f32 to vector<8192x1xf32>
    %div3A_19 = arith.divf %add3A_16, %div3A : vector<8192x1xf32>
    %mul3A_20 = vector.broadcast %reduce_sum3A_13 : f32 to vector<8192x1xf32>
    %mul3A_21 = arith.mulf %div3A_19, %mul3A_20 : vector<8192x1xf32>
    %get3A_22 = arith.constant 0 : index
    %get3A_23 = arith.constant 0 : index
    %get3A_24 = vector.load %arg3[%get3A_22, %get3A_23] : memref<8192x256xf32, #tpu.memory_space<vmem>>, vector<8192x256xf32>
    %mul3A_25 = arith.constant 9.900000e-01 : f32
    %mul3A_26 = vector.broadcast %mul3A_25 : f32 to vector<8192x256xf32>
    %mul3A_27 = arith.mulf %get3A_24, %mul3A_26 : vector<8192x256xf32>
    %get3A_28 = arith.constant 0 : index
    %get3A_29 = arith.constant 0 : index
    %get3A_30 = vector.load %arg2[%get3A_28, %get3A_29] : memref<8192x256xf32, #tpu.memory_space<vmem>>, vector<8192x256xf32>
    %mul3A_31 = arith.constant 0.00999999977 : f32
    %mul3A_32 = vector.broadcast %mul3A_31 : f32 to vector<8192x256xf32>
    %mul3A_33 = arith.mulf %get3A_30, %mul3A_32 : vector<8192x256xf32>
    %add3A_34 = arith.addf %mul3A_27, %mul3A_33 : vector<8192x256xf32>
    %max3A = arith.constant 9.99999974E-6 : f32
    %max3A_35 = vector.broadcast %max3A : f32 to vector<8192x1xf32>
    %max3A_36 = arith.maximumf %mul3A_21, %max3A_35 : vector<8192x1xf32>
    %div3A_37 = vector.broadcast %max3A_36 : vector<8192x1xf32> to vector<8192x256xf32>
    %div3A_38 = arith.divf %add3A_34, %div3A_37 : vector<8192x256xf32>
    %mul3A_39 = arith.mulf %div3A_38, %div3A_38 : vector<8192x256xf32>
    %reduce_sum3A_40 = arith.constant dense<0.000000e+00> : vector<8192xf32>
    %reduce_sum3A_41 = vector.multi_reduction <add>, %mul3A_39, %reduce_sum3A_40 [1] : vector<8192x256xf32> to vector<8192xf32>
    %broadcast_in_dim3A = vector.shape_cast %reduce_sum3A_41 : vector<8192xf32> to vector<8192x1xf32>
    %sqrt3A = math.sqrt %broadcast_in_dim3A : vector<8192x1xf32>
    %max3A_42 = arith.constant 9.99999974E-6 : f32
    %max3A_43 = vector.broadcast %max3A_42 : f32 to vector<8192x1xf32>
    %max3A_44 = arith.maximumf %sqrt3A, %max3A_43 : vector<8192x1xf32>
    %div3A_45 = vector.broadcast %max3A_44 : vector<8192x1xf32> to vector<8192x256xf32>
    %div3A_46 = arith.divf %div3A_38, %div3A_45 : vector<8192x256xf32>
    %swap3A = arith.constant 0 : index
    %swap3A_47 = arith.constant 0 : index
    %swap3A_48 = vector.load %arg4[%swap3A, %swap3A_47] : memref<8192x256xf32, #tpu.memory_space<vmem>>, vector<8192x256xf32>
    tpu.vector_store %arg4[%swap3A, %swap3A_47], %div3A_46 {strides = array<i32>} : memref<8192x256xf32, #tpu.memory_space<vmem>>, vector<8192x256xf32>,
    return
  }
}

module attributes {stable_mosaic.version = 14 : i64} {
  func.func @_k6_body(%arg0: i32, %arg1: memref<256x256xf32, #tpu.memory_space<vmem>>, %arg2: memref<256x256xf32, #tpu.memory_space<vmem>>, %arg3: memref<256x256xf32, #tpu.memory_space<vmem>>, %arg4: memref<256x1xf32, #tpu.memory_space<vmem>>) attributes {dimension_semantics = [#tpu.dimension_semantics<arbitrary>], iteration_bounds = array<i64: 64>, scalar_prefetch = 0 : i64, scratch_operands = 0 : i64, tpu.core_type = #tpu.core_type<tc>, window_params = [{transform_indices = @transform_0, window_bounds = array<i64: 256, 256>}, {transform_indices = @transform_1, window_bounds = array<i64: 256, 256>}, {transform_indices = @transform_2, window_bounds = array<i64: 256, 256>}, {transform_indices = @transform_3, window_bounds = array<i64: 256, 1>}]} {
    %get3A = arith.constant 0 : index
    %get3A_0 = arith.constant 0 : index
    %get3A_1 = vector.load %arg1[%get3A, %get3A_0] : memref<256x256xf32, #tpu.memory_space<vmem>>, vector<256x256xf32>
    %mul3A = arith.mulf %get3A_1, %get3A_1 : vector<256x256xf32>
    %reduce_sum3A = arith.constant dense<0.000000e+00> : vector<256xf32>
    %reduce_sum3A_2 = vector.multi_reduction <add>, %mul3A, %reduce_sum3A [1] : vector<256x256xf32> to vector<256xf32>
    %broadcast_in_dim3A = vector.shape_cast %reduce_sum3A_2 : vector<256xf32> to vector<256x1xf32>
    %sqrt3A = math.sqrt %broadcast_in_dim3A : vector<256x1xf32>
    %max3A = arith.constant 9.99999974E-6 : f32
    %max3A_3 = vector.broadcast %max3A : f32 to vector<256x1xf32>
    %max3A_4 = arith.maximumf %sqrt3A, %max3A_3 : vector<256x1xf32>
    %div3A = vector.broadcast %max3A_4 : vector<256x1xf32> to vector<256x256xf32>
    %div3A_5 = arith.divf %get3A_1, %div3A : vector<256x256xf32>
    %get3A_6 = arith.constant 0 : index
    %get3A_7 = arith.constant 0 : index
    %get3A_8 = vector.load %arg2[%get3A_6, %get3A_7] : memref<256x256xf32, #tpu.memory_space<vmem>>, vector<256x256xf32>
    %mul3A_9 = arith.mulf %get3A_8, %get3A_8 : vector<256x256xf32>
    %reduce_sum3A_10 = arith.constant dense<0.000000e+00> : vector<256xf32>
    %reduce_sum3A_11 = vector.multi_reduction <add>, %mul3A_9, %reduce_sum3A_10 [1] : vector<256x256xf32> to vector<256xf32>
    %broadcast_in_dim3A_12 = vector.shape_cast %reduce_sum3A_11 : vector<256xf32> to vector<256x1xf32>
    %sqrt3A_13 = math.sqrt %broadcast_in_dim3A_12 : vector<256x1xf32>
    %max3A_14 = arith.constant 9.99999974E-6 : f32
    %max3A_15 = vector.broadcast %max3A_14 : f32 to vector<256x1xf32>
    %max3A_16 = arith.maximumf %sqrt3A_13, %max3A_15 : vector<256x1xf32>
    %div3A_17 = vector.broadcast %max3A_16 : vector<256x1xf32> to vector<256x256xf32>
    %div3A_18 = arith.divf %get3A_8, %div3A_17 : vector<256x256xf32>
    %max3A_19 = arith.constant 9.99999974E-6 : f32
    %max3A_20 = vector.broadcast %max3A_19 : f32 to vector<256x1xf32>
    %max3A_21 = arith.maximumf %sqrt3A, %max3A_20 : vector<256x1xf32>
    %mul3A_22 = vector.broadcast %max3A_21 : vector<256x1xf32> to vector<256x256xf32>
    %mul3A_23 = arith.mulf %get3A_8, %mul3A_22 : vector<256x256xf32>
    %sub3A = arith.subf %mul3A_23, %get3A_1 : vector<256x256xf32>
    %add3A = arith.addf %get3A_1, %sub3A : vector<256x256xf32>
    %swap3A = arith.constant 0 : index
    %swap3A_24 = arith.constant 0 : index
    %swap3A_25 = vector.load %arg3[%swap3A, %swap3A_24] : memref<256x256xf32, #tpu.memory_space<vmem>>, vector<256x256xf32>
    tpu.vector_store %arg3[%swap3A, %swap3A_24], %add3A {strides = array<i32>} : memref<256x256xf32, #tpu.memory_space<vmem>>, vector<256x256xf32>,
    %mul3A_26 = arith.mulf %div3A_5, %div3A_18 : vector<256x256xf32>
    %reduce_sum3A_27 = arith.constant dense<0.000000e+00> : vector<256xf32>
    %reduce_sum3A_28 = vector.multi_reduction <add>, %mul3A_26, %reduce_sum3A_27 [1] : vector<256x256xf32> to vector<256xf32>
    %broadcast_in_dim3A_29 = vector.shape_cast %reduce_sum3A_28 : vector<256xf32> to vector<256x1xf32>
    %sub3A_30 = arith.constant 1.000000e+00 : f32
    %sub3A_31 = vector.broadcast %sub3A_30 : f32 to vector<256x1xf32>
    %sub3A_32 = arith.subf %sub3A_31, %broadcast_in_dim3A_29 : vector<256x1xf32>
    %swap3A_33 = arith.constant 0 : index
    %swap3A_34 = arith.constant 0 : index
    %swap3A_35 = vector.load %arg4[%swap3A_33, %swap3A_34] : memref<256x1xf32, #tpu.memory_space<vmem>>, vector<256x1xf32>
    tpu.vector_store %arg4[%swap3A_33, %swap3A_34], %sub3A_32 {strides = array<i32>} : memref<256x1xf32, #tpu.memory_space<vmem>>, vector<256x1xf32>,
    return
  }
  func.func @transform_0(%arg0: i32) -> (i32, i32) {
    %c0_i32 = arith.constant 0 : i32
    %c0_i32_0 = arith.constant 0 : i32
    return %arg0, %c0_i32 : i32, i32
  }
  func.func @transform_1(%arg0: i32) -> (i32, i32) {
    %c0_i32 = arith.constant 0 : i32
    %c0_i32_0 = arith.constant 0 : i32
    return %arg0, %c0_i32 : i32, i32
  }
  func.func @transform_2(%arg0: i32) -> (i32, i32) {
    %c0_i32 = arith.constant 0 : i32
    %c0_i32_0 = arith.constant 0 : i32
    return %arg0, %c0_i32 : i32, i32
  }
  func.func @transform_3(%arg0: i32) -> (i32, i32) {
    %c0_i32 = arith.constant 0 : i32
    %c0_i32_0 = arith.constant 0 : i32
    return %arg0, %c0_i32 : i32, i32
  }
}

</mosaic_0001>

<sc_bundles>
// kernel: kernel.10.cloned.1.call-start
scs
__scs_entry_jumppad:
0x0: {  	(pc) =	sbr.rel $0x88, $3  }
0x1: {  	(tag) =	ssettag $0x0;
	lr =	simm.s32 $0x1  }
0x2: {  	[smem:$0x3F9D] =	sst lr;
	_ =	strace $0xD0000000  }
0x3: {  	_ = 	snop  }
0x4: {  	_ = 	snop  }
0x5: {  	_ = 	snop  }
0x6: {  	_ = 	snop  }
0x7: {  	_ = 	snop  }
__scs_overlays_trampoline_lowered:
0x8: {  	[smem:$0x3FAC] =	sst s0  }
0x9: {  	[smem:$0x3FAD] =	sst s1  }
0xa: {  	[smem:$0x3FAE] =	sst s2  }
0xb: {  	[smem:$0x3FAF] =	sst s3  }
0xc: {  	[smem:$0x3FB0] =	sst s4  }
0xd: {  	[smem:$0x3FB1] =	sst s5  }
0xe: {  	[smem:$0x3FB2] =	sst s6  }
0xf: {  	[smem:$0x3FB3] =	sst s7  }
0x10: {  	[smem:$0x3FB4] =	sst s8  }
0x11: {  	[smem:$0x3FB5] =	sst s9;
	s0 =	simm.s32 @!p0 $0x0  }
0x12: {  	s1 =	sld [smem:$0x3F9B];
	s0 =	simm.s32 @p0 $0x1  }
0x13: {  	[smem:$0x3FB6] =	sst s0;
	s0 =	simm.s32 @!p1 $0x0  }
0x14: {  	s2 =	sld [smem:$0x3F9A];
	s0 =	simm.s32 @p1 $0x1  }
0x15: {  	[smem:$0x3FB7] =	sst s0;
	s0 =	simm.s32 @!p2 $0x0  }
0x16: {  	s3 =	sld [smem:$0x3FDB];
	s0 =	simm.s32 @p2 $0x1  }
0x17: {  	s4 =	simm.s32 $0x1BF5;
	[smem:$0x3FB9] =	sst s0  }
0x18: {  	s0 =	sld [smem:$0x3F9C];
	_ =	swait.ge [sflag:s4], $0x0  }
0x19: {  	s7 =	sld [smem:$0x3F9D]  }
0x1a: {  	s8 =	sadd.s32 $0xFFFFE003, lr  }
0x1b: {  	s9 =	sadd.s32 $0xFFFFFEF7, lr;
	s5 =	simm.s32 $0xFFFFFFFF;
	p2 =	slt.u32 s8, $0xFFFFF086  }
0x1c: {  	p1 =	slt.u32 s9, $0xF7A;
	s5 =	simm.s32 @!p2 $0x0  }
0x1d: {  	s5 =	simm.s32 @p1 $0x1;
	p0 =	seq.s32 s7, s2  }
0x1e: {  	s7 =	smul.u32 @!p0 $0xF7A, s2;
	p2 =	seq.s32 @!p0 s5, $0x0  }
0x1f: {  	s9 =	smul.u32 $0xF7A, s1;
	s8 =	simm.s32 @!p0 $0x1BF5;
	p2 =	por !p2, p0  }
0x20: {  	[sflag:s8] =	ssyncset.s32 @!p0 $0xFFFFF086;
	s6 =	sadd.s32 @!p0 s3, s7;
	s7 =	simm.s32 @!p0 $0x108  }
0x21: {  	s3 =	sadd.s32 s3, s9;
	s6 =	sadd.s32 @!p0 $0x88, s6;
	s7 =	simm.s32 @p2 $0x1082  }
0x22: {  	[simem:s7], [sflag:s8] =	dma.local @!p0 [hbm:s6], $0xF7A  }
0x23: {  	s9 =	sor.u32 $0xD0000000, s2;
	s6 =	simm.s32 $0x108;
	_ =	swait.ge @!p0 [sflag:s8], $0x0  }
0x24: {  	s3 =	sadd.s32 $0x88, s3;
	s6 =	simm.s32 @!p1 $0x1082;
	[sflag:s4] =	ssyncset.s32 $0xFFFFF086  }
0x25: {  	[simem:s6], [sflag:s4] =	dma.local [hbm:s3], $0xF7A  }
0x26: {  	[smem:$0x3F9D] =	sst s1;
	(tag) =	ssettag s2;
	_ =	strace s9  }
0x27: {  	s1 =	sld [smem:$0x3FAD]  }
0x28: {  	s2 =	sld [smem:$0x3FAE]  }
0x29: {  	s4 =	sld [smem:$0x3FB0]  }
0x2a: {  	p0 =	seq.s32 s5, $0x0;
	s5 =	sld [smem:$0x3FB1]  }
0x2b: {  	s6 =	sld [smem:$0x3FB2]  }
0x2c: {  	s7 =	sld [smem:$0x3FB3]  }
0x2d: {  	s3 =	simm.s32 $0x108;
	s8 =	sld [smem:$0x3FB4]  }
0x2e: {  	s3 =	simm.s32 @!p0 $0x1082;
	s9 =	sld [smem:$0x3FB5]  }
0x2f: {  	lr =	sadd.s32 s0, s3;
	s0 =	sld [smem:$0x3FAC]  }
0x30: {  	s3 =	sld [smem:$0x3FAF]  }
0x31: {  	[smem:$0x3FB8] =	sst s10  }
0x32: {  	s10 =	sld [smem:$0x3FB6];
	_ =	sdelay $0x3  }
0x33: {  	p0 =	seq.s32 s10, $0x1;
	s10 =	sld [smem:$0x3FB8];
	_ =	sdelay $0x3  }
0x34: {  	[smem:$0x3FB8] =	sst s10  }
0x35: {  	s10 =	sld [smem:$0x3FB7];
	_ =	sdelay $0x3  }
0x36: {  	p1 =	seq.s32 s10, $0x1;
	s10 =	sld [smem:$0x3FB8];
	_ =	sdelay $0x3  }
0x37: {  	[smem:$0x3FB8] =	sst s10  }
0x38: {  	s10 =	sld [smem:$0x3FB9]  }
0x39: {  	_ = 	snop;
	(pc) =	sbr.ind lr, $3  }
0x3a: {  	_ = 	snop  }
0x3b: {  	_ = 	snop  }
0x3c: {  	p2 =	seq.s32 s10, $0x1;
	s10 =	sld [smem:$0x3FB8]  }
0x3d: {  	_ =	shalt  }
0x3e: {  	_ =	shalt  }
0x3f: {  	_ =	shalt  }
0x40: {  	_ =	shalt  }
0x41: {  	_ =	shalt  }
0x42: {  	_ =	shalt  }
0x43: {  	_ =	shalt  }
0x44: {  	_ =	shalt  }
0x45: {  	_ =	shalt  }
0x46: {  	_ =	shalt  }
0x47: {  	_ =	shalt  }
0x48: {  	_ =	shalt  }
0x49: {  	_ =	shalt  }
0x4a: {  	_ =	shalt  }
0x4b: {  	_ =	shalt  }
0x4c: {  	_ =	shalt  }
0x4d: {  	_ =	shalt  }
0x4e: {  	_ =	shalt  }
0x4f: {  	_ =	shalt  }
0x50: {  	_ =	shalt  }
0x51: {  	_ =	shalt  }
0x52: {  	_ =	shalt  }
0x53: {  	_ =	shalt  }
0x54: {  	_ =	shalt  }
0x55: {  	_ =	shalt  }
0x56: {  	_ =	shalt  }
0x57: {  	_ =	shalt  }
0x58: {  	_ =	shalt  }
0x59: {  	_ =	shalt  }
0x5a: {  	_ =	shalt  }
0x5b: {  	_ =	shalt  }
0x5c: {  	_ =	shalt  }
0x5d: {  	_ =	shalt  }
0x5e: {  	_ =	shalt  }
0x5f: {  	_ =	shalt  }
0x60: {  	_ =	shalt  }
0x61: {  	_ =	shalt  }
0x62: {  	_ =	shalt  }
0x63: {  	_ =	shalt  }
0x64: {  	_ =	shalt  }
0x65: {  	_ =	shalt  }
0x66: {  	_ =	shalt  }
0x67: {  	_ =	shalt  }
0x68: {  	_ =	shalt  }
0x69: {  	_ =	shalt  }
0x6a: {  	_ =	shalt  }
0x6b: {  	_ =	shalt  }
0x6c: {  	_ =	shalt  }
0x6d: {  	_ =	shalt  }
0x6e: {  	_ =	shalt  }
0x6f: {  	_ =	shalt  }
0x70: {  	_ =	shalt  }
0x71: {  	_ =	shalt  }
0x72: {  	_ =	shalt  }
0x73: {  	_ =	shalt  }
0x74: {  	_ =	shalt  }
0x75: {  	_ =	shalt  }
0x76: {  	_ =	shalt  }
0x77: {  	_ =	shalt  }
0x78: {  	_ =	shalt  }
0x79: {  	_ =	shalt  }
0x7a: {  	_ =	shalt  }
0x7b: {  	_ =	shalt  }
0x7c: {  	_ =	shalt  }
0x7d: {  	_ =	shalt  }
0x7e: {  	_ =	shalt  }
0x7f: {  	_ =	shalt  }
0x80: {  	_ =	shalt  }
0x81: {  	_ =	shalt  }
0x82: {  	_ =	shalt  }
0x83: {  	_ =	shalt  }
0x84: {  	_ =	shalt  }
0x85: {  	_ =	shalt  }
0x86: {  	_ =	shalt  }
0x87: {  	_ =	shalt  }
.Lfunc_end0:
.L_simem_size_0:
called_computation.1_lowered:
.L_overlay_start_0:
0x88: {  	s2 =	sld [smem:$0x3FD9]  }
0x89: {  	s3 =	sld [smem:$0x3FFE];
	_ =	sdelay $0x1  }
0x8a: {  	s1 =	srdreg.scid  }
0x8b: {  	s0 =	sand.u32 $0x1, s1  }
0x8c: {  	s14 =	sshll.u32 s0, $0xA;
	s2 =	sadd.s32 s3, s2  }
0x8d: {  	s2 =	sadd.s32 s2, s14  }
0x8e: {  	[smem:$0x3FC4] =	sst s2  }
0x8f: {  	_ = 	snop  }
0x90: {  	s2 =	sld [smem:$0x3FD0];
	_ =	sdelay $0x2  }
0x91: {  	s15 =	simm.s32 $0xA;
	s4 =	simm.s32 $0x10  }
0x92: {  	[smem:s4], [sflag:s15] =	dma.local [hbm:s2], $0x1  }
0x93: {  	_ =	swait.eq [sflag:s15], $0x1  }
0x94: {  	[sflag:s15] =	ssyncset.done $0x0  }
0x95: {  	s16 =	sld [smem:$0x10];
	[sflag:s15] =	ssyncadd.s32 $0xFFFFFFFF  }
0x96: {  	s17 =	sld [smem:$0x11];
	(tm) =	ssettm $0x1  }
0x97: {  	s18 =	sld [smem:$0x3FFB];
	_ =	sdelay $0x3  }
0x98: {  	_ =	strace s18  }
0x99: {  	s4 =	sld [smem:$0x3FFC];
	_ =	sdelay $0x3  }
0x9a: {  	_ =	strace s4  }
0x9b: {  	s4 =	sld [smem:$0x3FFD];
	_ =	sdelay $0x3  }
0x9c: {  	_ =	strace s4  }
0x9d: {  	_ =	strace $0x8FFFFFFF  }
0x9e: {  	s19 =	sld [smem:$0x3FDB];
	_ =	sdelay $0x1  }
0x9f: {  	s5 =	simm.s32 $_scs_section_size  }
0xa0: {  	s6 =	simm.s32 $_size__tile_overlayer_lowered;
	s7 =	simm.s32 $_tile_overlayer_lowered  }
0xa1: {  	s22 =	simm.s32 $0x1BFF;
	s21 =	sshll.u32 s7, $0x1;
	s4 =	sadd.s32 s5, s19  }
0xa2: {  	s8 =	simm.s32 $0x0;
	s20 =	sshll.u32 s6, $0x1;
	s6 =	sadd.s32 s21, s4  }
0xa3: {  	[timem:s8], [sflag:s22] =	dma.local [hbm:s6], s20  }
0xa4: {  	_ =	swait.ge [sflag:s22], s20  }
0xa5: {  	s5 =	ssub.s32 $0x0, s20;
	[sflag:s22] =	ssyncset.done $0x0  }
0xa6: {  	[sflag:s22] =	ssyncadd.s32 s5;
	_ =	sdelay $0x1  }
0xa7: {  	s23 =	simm.s32 $0x1B8B  }
0xa8: {  	_ =	swait.ge [sflag:s23], $0x1  }
0xa9: {  	[sflag:s23] =	ssyncset.done $0x0  }
0xaa: {  	s25 =	simm.s32 $0x1B8E;
	s24 =	sld [smem:$0x3FFE];
	[sflag:s23] =	ssyncadd.s32 $0xFFFFFFFF  }
0xab: {  	s26 =	simm.s32 $execute0_lowered;
	[smem:$0x3FD2] =	sst s25  }
0xac: {  	s6 =	sshll.u32 s26, $0x1;
	_ =	strace $0x80000049;
	[dreg:$0x1] =	wrdreg $0xFFFFFFFF  }
0xad: {  	s28 =	simm.s32 $_size_execute0_lowered;
	s4 =	sadd.s32 s4, s6;
	[dreg:$0x0] =	wrdreg $0x0  }
0xae: {  	s6 =	sshll.u32 s28, $0x1;
	[dreg:$0x2] =	wrdreg s4  }
0xaf: {  	[dreg:$0x3] =	wrdreg s6  }
0xb0: {  	[dreg:$0x4] =	wrdreg $0xC0  }
0xb1: {  	_ =	task [dreg:s8], $0x5FFFF  }
0xb2: {  	[dreg:$0x1] =	wrdreg $0xFFFFFFFF  }
0xb3: {  	[dreg:$0x0] =	wrdreg $0x60  }
0xb4: {  	[dreg:$0x2] =	wrdreg s16  }
0xb5: {  	[dreg:$0x3] =	wrdreg s17  }
0xb6: {  	[dreg:$0x4] =	wrdreg s24  }
0xb7: {  	[dreg:$0x5] =	wrdreg $0x9  }
0xb8: {  	_ =	task.clear_ibuf [dreg:s8], $0x6FFFF;
	_ =	strace $0x90000049  }
0xb9: {  	s29 =	simm.s32 $0x9;
	_ =	strace $0x8000004B  }
0xba: {  	_ =	swait.ge [sflag:s29], $0x1  }
0xbb: {  	[sflag:s29] =	ssyncadd.s32 $0xFFFFFFFF  }
0xbc: {  	_ =	strace $0x9000004B  }
0xbd: {  	_ =	sfence  }
0xbe: {  	s30 =	sld [smem:$0x0];
	_ =	sdelay $0x2  }
0xbf: {  	s31 =	sshll.u32 s1, $0xD;
	s1 =	sshrl.u32 s1, $0x2  }
0xc0: {  	s3 =	sand.u32 $0x4000, s31;
	s1 =	sadd.s32 s1, s30  }
0xc1: {  	s0 =	sor.u32 s3, s0;
	s1 =	sshll.u32 s1, $0x11  }
0xc2: {  	s0 =	sor.u32 s1, s0  }
0xc3: {  	s0 =	sadd.s32 $0x8F2B, s0  }
0xc4: {  	[sflag:s0] =	ssyncadd.remote.s32 $0x1  }
0xc5: {  	_ =	sfence.sel $0xFFFF  }
0xc6: {  	[dreg:$0x0] =	wrdreg $0xFFFFFFFF;
	(pc) =	sbr.abs _section_cstart, $3  }
0xc7: {  	[dreg:$0x1] =	wrdreg $0xFFFFFFFF  }
0xc8: {  	_ =	task.clear_ibuf [dreg:s8], $0x2FFFF;
	_ =	strace $0x9FFFFFFF  }
0xc9: {  	(tm) =	ssettm $0x7FFFFFFF  }
tec
execute0_lowered:
.L_overlay_start_1:
0x0: {  	(tag) =	ssettag $0x1  }
0x1: {  	s1 =	rddreg [dreg:$0x0]  }
0x2: {  	s6 =	rddreg [dreg:$0x1]  }
0x3: {  	s4 =	rddreg [dreg:$0x2]  }
0x4: {  	s0 =	rddreg [dreg:$0x3]  }
0x5: {  	s3 =	simm.s32 $0x0;
	s2 =	stileid.u32;
	s5 =	srdreg.scid  }
0x6: {  	s11 =	simm.s32 $0x1880;
	s12 =	simm.s32 $0x2080;
	s13 =	simm.s32 $0x2880  }
0x7: {  	s14 =	simm.s32 $0x3080;
	s15 =	simm.s32 $0x3880;
	s16 =	simm.s32 $0x4080  }
0x8: {  	s17 =	simm.s32 $0x4880;
	s18 =	simm.s32 $0x5080;
	s19 =	simm.s32 $0x5880  }
0x9: {  	s20 =	simm.s32 $0x6080;
	s21 =	simm.s32 $0x6880;
	s22 =	simm.s32 $0x7080  }
0xa: {  	s23 =	simm.s32 $0x7880;
	s24 =	simm.s32 $0x1;
	s25 =	simm.s32 $0x0  }
0xb: {  	[smem:$0x7FF] =	sst s3;
	s7 =	sshll.u32 s2, $0xF;
	s5 =	sand.u32 $0x1, s5  }
0xc: {  	s9 =	sshll.u32 s2, $0xA;
	_ =	strace $0x8000004A;
	s7 =	sadd.s32 s7, s4  }
0xd: {  	s29 =	ssub.s32 $0x2, s5;
	s10 =	sshll.u32 s5, $0x9;
	s5 =	sshll.u32 s5, $0xE  }
0xe: {  	s8 =	sshrl.u32 s29, $0x1;
	s30 =	sor.u32 s10, s9;
	s5 =	sadd.s32 s5, s7  }
0xf: {  	v2 =	vlaneseq.u32;
	s7 =	simm.s32 $0x2;
	s9 =	simm.s32 $0x880;
	s10 =	simm.s32 $0x1080  }
0x10: {  	vm0 =	vmmov $0xffff;
	v1 =	vshrl.u32 v2, $0x3;
	s4 =	ssub.s32 s29, s8;
	s31 =	sshrl.u32 s30, $0x3;
	s5 =	sadd.s32 $0xE00, s5  }
0x11: {  	v0 =	vand.u32 $0x7, v2;
	v2 =	vor.u32 $0x8, v2;
	v1 =	vmul.u32 $0x8, v1;
	s8 =	simm.s32 $0x80;
	s4 =	smax.u32 s4, $0x1;
	s6 =	sadd.s32 s31, s6  }
.LBB2_1:
0x12: {  	s26 =	smov.u32 s5;
	s28 =	simm.s32 $0x0  }
.LBB2_2:
0x13: {  	s29 =	sadd.s32 s28, s6  }
0x14: {  	[tilespmem:s3], [sflag:$0x2] =	stream.linear.gather [hbm4b:s29+s3], $0x80, $0x38;
	[tilespmem:$0x8080] =	vst v63  }
0x15: {  	_ =	swait.ge [sflag:s7], $0x80  }
0x16: {  	[sflag:s7] =	ssyncset.done $0x0  }
0x17: {  	[sflag:s7] =	ssyncadd.s32 $0xFFFFFF80  }
0x18: {  	v3 =	vld [tilespmem:$0x0];
	_ =	sdelay $0x4  }
0x19: {  	v4 =	vshll.u32 v3, $0x1  }
0x1a: {  	v3 =	vand.u32 $0x7, v3;
	v4 =	vand.u32 $0xFFFFFFF0, v4  }
0x1b: {  	v3 =	vor.u32 v3, v4  }
0x1c: {  	v4 =	vperm.xlane v3, v0;
	_ =	sdelay $0x1  }
0x1d: {  	v3 =	vperm.xlane v3, v2;
	v4 =	vadd.s32 v1, v4;
	_ =	sdelay $0x1  }
0x1e: {  	v3 =	vadd.s32 v1, v3;
	_ =	sdelay $0x2  }
0x1f: {  	[tilespmem:s8], [sflag:$0x1] =	stream.indirect_vreg.gather [hbm4b:s1+s3], $0x80, v4, vm0, $0xb8;
	[tilespmem:$0x8080] =	vst v63  }
0x20: {  	_ = 	snop  }
0x21: {  	[tilespmem:s9], [sflag:$0x1] =	stream.indirect_vreg.gather [hbm4b:s1+s3], $0x80, v3, vm0, $0xb8;
	[tilespmem:$0x8080] =	vst v63  }
0x22: {  	v3 =	vld [tilespmem:$0x10];
	_ =	sdelay $0x4  }
0x23: {  	v57 =	vshll.u32 v3, $0x1  }
0x24: {  	v3 =	vand.u32 $0x7, v3;
	v4 =	vand.u32 $0xFFFFFFF0, v57  }
0x25: {  	v3 =	vor.u32 v3, v4  }
0x26: {  	v4 =	vperm.xlane v3, v0;
	_ =	sdelay $0x1  }
0x27: {  	v3 =	vperm.xlane v3, v2;
	v4 =	vadd.s32 v1, v4;
	_ =	sdelay $0x1  }
0x28: {  	v3 =	vadd.s32 v1, v3;
	_ =	sdelay $0x2  }
0x29: {  	[tilespmem:s10], [sflag:$0x1] =	stream.indirect_vreg.gather [hbm4b:s1+s3], $0x80, v4, vm0, $0xb8;
	[tilespmem:$0x8080] =	vst v63  }
0x2a: {  	_ = 	snop  }
0x2b: {  	[tilespmem:s11], [sflag:$0x1] =	stream.indirect_vreg.gather [hbm4b:s1+s3], $0x80, v3, vm0, $0xb8;
	[tilespmem:$0x8080] =	vst v63  }
0x2c: {  	v3 =	vld [tilespmem:$0x20];
	_ =	sdelay $0x4  }
0x2d: {  	v58 =	vshll.u32 v3, $0x1  }
0x2e: {  	v3 =	vand.u32 $0x7, v3;
	v4 =	vand.u32 $0xFFFFFFF0, v58  }
0x2f: {  	v3 =	vor.u32 v3, v4  }
0x30: {  	v4 =	vperm.xlane v3, v0;
	_ =	sdelay $0x1  }
0x31: {  	v3 =	vperm.xlane v3, v2;
	v4 =	vadd.s32 v1, v4;
	_ =	sdelay $0x1  }
0x32: {  	v3 =	vadd.s32 v1, v3;
	_ =	sdelay $0x2  }
0x33: {  	[tilespmem:s12], [sflag:$0x1] =	stream.indirect_vreg.gather [hbm4b:s1+s3], $0x80, v4, vm0, $0xb8;
	[tilespmem:$0x8080] =	vst v63  }
0x34: {  	_ = 	snop  }
0x35: {  	[tilespmem:s13], [sflag:$0x1] =	stream.indirect_vreg.gather [hbm4b:s1+s3], $0x80, v3, vm0, $0xb8;
	[tilespmem:$0x8080] =	vst v63  }
0x36: {  	v3 =	vld [tilespmem:$0x30];
	_ =	sdelay $0x4  }
0x37: {  	v59 =	vshll.u32 v3, $0x1  }
0x38: {  	v3 =	vand.u32 $0x7, v3;
	v4 =	vand.u32 $0xFFFFFFF0, v59  }
0x39: {  	v3 =	vor.u32 v3, v4  }
0x3a: {  	v4 =	vperm.xlane v3, v0;
	_ =	sdelay $0x1  }
0x3b: {  	v3 =	vperm.xlane v3, v2;
	v4 =	vadd.s32 v1, v4;
	_ =	sdelay $0x1  }
0x3c: {  	v3 =	vadd.s32 v1, v3;
	_ =	sdelay $0x2  }
0x3d: {  	[tilespmem:s14], [sflag:$0x1] =	stream.indirect_vreg.gather [hbm4b:s1+s3], $0x80, v4, vm0, $0xb8;
	[tilespmem:$0x8080] =	vst v63  }
0x3e: {  	_ = 	snop  }
0x3f: {  	[tilespmem:s15], [sflag:$0x1] =	stream.indirect_vreg.gather [hbm4b:s1+s3], $0x80, v3, vm0, $0xb8;
	[tilespmem:$0x8080] =	vst v63  }
0x40: {  	v3 =	vld [tilespmem:$0x40];
	_ =	sdelay $0x4  }
0x41: {  	v60 =	vshll.u32 v3, $0x1  }
0x42: {  	v3 =	vand.u32 $0x7, v3;
	v4 =	vand.u32 $0xFFFFFFF0, v60  }
0x43: {  	v3 =	vor.u32 v3, v4  }
0x44: {  	v4 =	vperm.xlane v3, v0;
	_ =	sdelay $0x1  }
0x45: {  	v3 =	vperm.xlane v3, v2;
	v4 =	vadd.s32 v1, v4;
	_ =	sdelay $0x1  }
0x46: {  	v3 =	vadd.s32 v1, v3;
	_ =	sdelay $0x2  }
0x47: {  	[tilespmem:s16], [sflag:$0x1] =	stream.indirect_vreg.gather [hbm4b:s1+s3], $0x80, v4, vm0, $0xb8;
	[tilespmem:$0x8080] =	vst v63  }
0x48: {  	_ = 	snop  }
0x49: {  	[tilespmem:s17], [sflag:$0x1] =	stream.indirect_vreg.gather [hbm4b:s1+s3], $0x80, v3, vm0, $0xb8;
	[tilespmem:$0x8080] =	vst v63  }
0x4a: {  	v3 =	vld [tilespmem:$0x50];
	_ =	sdelay $0x4  }
0x4b: {  	v61 =	vshll.u32 v3, $0x1  }
0x4c: {  	v3 =	vand.u32 $0x7, v3;
	v4 =	vand.u32 $0xFFFFFFF0, v61  }
0x4d: {  	v3 =	vor.u32 v3, v4  }
0x4e: {  	v4 =	vperm.xlane v3, v0;
	_ =	sdelay $0x1  }
0x4f: {  	v3 =	vperm.xlane v3, v2;
	v4 =	vadd.s32 v1, v4;
	_ =	sdelay $0x1  }
0x50: {  	v3 =	vadd.s32 v1, v3;
	_ =	sdelay $0x2  }
0x51: {  	[tilespmem:s18], [sflag:$0x1] =	stream.indirect_vreg.gather [hbm4b:s1+s3], $0x80, v4, vm0, $0xb8;
	[tilespmem:$0x8080] =	vst v63  }
0x52: {  	_ = 	snop  }
0x53: {  	[tilespmem:s19], [sflag:$0x1] =	stream.indirect_vreg.gather [hbm4b:s1+s3], $0x80, v3, vm0, $0xb8;
	[tilespmem:$0x8080] =	vst v63  }
0x54: {  	v3 =	vld [tilespmem:$0x60];
	_ =	sdelay $0x4  }
0x55: {  	v62 =	vshll.u32 v3, $0x1  }
0x56: {  	v3 =	vand.u32 $0x7, v3;
	v4 =	vand.u32 $0xFFFFFFF0, v62  }
0x57: {  	v3 =	vor.u32 v3, v4  }
0x58: {  	v4 =	vperm.xlane v3, v0;
	_ =	sdelay $0x1  }
0x59: {  	v3 =	vperm.xlane v3, v2;
	v4 =	vadd.s32 v1, v4;
	_ =	sdelay $0x1  }
0x5a: {  	v3 =	vadd.s32 v1, v3;
	_ =	sdelay $0x2  }
0x5b: {  	[tilespmem:s20], [sflag:$0x1] =	stream.indirect_vreg.gather [hbm4b:s1+s3], $0x80, v4, vm0, $0xb8;
	[tilespmem:$0x8080] =	vst v63  }
0x5c: {  	_ = 	snop  }
0x5d: {  	[tilespmem:s21], [sflag:$0x1] =	stream.indirect_vreg.gather [hbm4b:s1+s3], $0x80, v3, vm0, $0xb8;
	[tilespmem:$0x8080] =	vst v63  }
0x5e: {  	v3 =	vld [tilespmem:$0x70];
	_ =	sdelay $0x4  }
0x5f: {  	v63 =	vshll.u32 v3, $0x1  }
0x60: {  	v3 =	vand.u32 $0x7, v3;
	v4 =	vand.u32 $0xFFFFFFF0, v63  }
0x61: {  	v3 =	vor.u32 v3, v4  }
0x62: {  	v4 =	vperm.xlane v3, v0;
	_ =	sdelay $0x1  }
0x63: {  	v3 =	vperm.xlane v3, v2;
	v4 =	vadd.s32 v1, v4;
	_ =	sdelay $0x1  }
0x64: {  	v3 =	vadd.s32 v1, v3;
	_ =	sdelay $0x2  }
0x65: {  	[tilespmem:s22], [sflag:$0x1] =	stream.indirect_vreg.gather [hbm4b:s1+s3], $0x80, v4, vm0, $0xb8;
	[tilespmem:$0x8080] =	vst v63  }
0x66: {  	_ = 	snop  }
0x67: {  	[tilespmem:s23], [sflag:$0x1] =	stream.indirect_vreg.gather [hbm4b:s1+s3], $0x80, v3, vm0, $0xb8;
	[tilespmem:$0x8080] =	vst v63  }
0x68: {  	_ =	swait.ge [sflag:s24], $0x8000  }
0x69: {  	p0 =	sne.s32 s28, $0x30;
	[sflag:s24] =	ssyncset.done $0x0  }
.Ltmp0:
0x6a: {  	[sflag:s24] =	ssyncadd.s32 $0xFFFF8000;
	(pc) =	sbr.rel @p0 .LBB2_2-.Ltmp0, $4  }
0x6b: {  	[hbm4b:s26+s3] =	stream.linear.scatter [tilespmem:s8], [sflag:$0x2], $0x8000, $0x38;
	[tilespmem:$0x8080] =	vst v63  }
0x6c: {  	_ =	swait.ge [sflag:s7], $0x8000  }
0x6d: {  	[sflag:s7] =	ssyncset.done $0x0  }
0x6e: {  	s28 =	sadd.s32 $0x10, s28;
	s26 =	sadd.s32 $0x1000, s26;
	[sflag:s7] =	ssyncadd.s32 $0xFFFF8000  }
0x6f: {  	s25 =	sadd.s32 $0x1, s25  }
0x70: {  	p0 =	sne.s32 s25, s4  }
.Ltmp1:
0x71: {  	_ = 	snop;
	(pc) =	sbr.rel @p0 .LBB2_1-.Ltmp1, $1  }
0x72: {  	_ =	sdelay $0x3  }
0x73: {  	_ =	sfence.sel $0x180000  }
0x74: {  	[bflag:$0x0] =	sbarrier.arrive $0xFFFF  }
0x75: {  	p0 =	sne.s32 s2, $0x0;
	_ =	strace $0x9000004A  }
0x76: {  	s0 =	sadd.s32 @!p0 $0x100000, s0;
	[bflag:$0x2] =	sbarrier.arrive $0xFFFF  }
0x77: {  	[sflag:s0] =	ssyncadd.tile.s32 @!p0 $0x1;
	_ =	shalt  }
.Lfunc_end2:
_tile_overlayer_lowered:
.L_overlay_start_2:
0x78: {  	(tag) =	ssettag $0x2  }
0x79: {  	s0 =	rddreg [dreg:$0x0];
	s2 =	stileid.u32  }
0x7a: {  	s1 =	rddreg [dreg:$0x1];
	p0 =	sne.s32 s2, $0x0  }
0x7b: {  	s3 =	rddreg [dreg:$0x2];
	[bflag:$0x3] =	sbarrier.arrive $0xFFFF;
	s2 =	simm.s32 @!p0 $0x1C02  }
0x7c: {  	[timem:s3], [sflag:s2] =	dma.local @!p0 [hbm:s0], s1  }
0x7d: {  	s0 =	simm.s32 @!p0 $0x2  }
0x7e: {  	_ =	swait.ge @!p0 [sflag:s0], s1  }
0x7f: {  	s1 =	ssub.s32 @!p0 $0x0, s1;
	[sflag:s0] =	ssyncset.done @!p0 $0x0  }
0x80: {  	[sflag:s0] =	ssyncadd.s32 @!p0 s1  }
0x81: {  	[bflag:$0x3] =	sbarrier.arrive $0xFFFF  }
0x82: {  	_ =	shalt  }

// kernel: kernel.7.cloned.1.call-start
scs
__scs_entry_jumppad:
0x0: {  	(pc) =	sbr.rel $0x88, $3  }
0x1: {  	(tag) =	ssettag $0x0;
	lr =	simm.s32 $0x1  }
0x2: {  	[smem:$0x3F9D] =	sst lr;
	_ =	strace $0xD0000000  }
0x3: {  	_ = 	snop  }
0x4: {  	_ = 	snop  }
0x5: {  	_ = 	snop  }
0x6: {  	_ = 	snop  }
0x7: {  	_ = 	snop  }
__scs_overlays_trampoline_lowered:
0x8: {  	[smem:$0x3FAC] =	sst s0  }
0x9: {  	[smem:$0x3FAD] =	sst s1  }
0xa: {  	[smem:$0x3FAE] =	sst s2  }
0xb: {  	[smem:$0x3FAF] =	sst s3  }
0xc: {  	[smem:$0x3FB0] =	sst s4  }
0xd: {  	[smem:$0x3FB1] =	sst s5  }
0xe: {  	[smem:$0x3FB2] =	sst s6  }
0xf: {  	[smem:$0x3FB3] =	sst s7  }
0x10: {  	[smem:$0x3FB4] =	sst s8  }
0x11: {  	[smem:$0x3FB5] =	sst s9;
	s0 =	simm.s32 @!p0 $0x0  }
0x12: {  	s1 =	sld [smem:$0x3F9B];
	s0 =	simm.s32 @p0 $0x1  }
0x13: {  	[smem:$0x3FB6] =	sst s0;
	s0 =	simm.s32 @!p1 $0x0  }
0x14: {  	s2 =	sld [smem:$0x3F9A];
	s0 =	simm.s32 @p1 $0x1  }
0x15: {  	[smem:$0x3FB7] =	sst s0;
	s0 =	simm.s32 @!p2 $0x0  }
0x16: {  	s3 =	sld [smem:$0x3FDB];
	s0 =	simm.s32 @p2 $0x1  }
0x17: {  	s4 =	simm.s32 $0x1BF5;
	[smem:$0x3FB9] =	sst s0  }
0x18: {  	s0 =	sld [smem:$0x3F9C];
	_ =	swait.ge [sflag:s4], $0x0  }
0x19: {  	s7 =	sld [smem:$0x3F9D]  }
0x1a: {  	s8 =	sadd.s32 $0xFFFFE003, lr  }
0x1b: {  	s9 =	sadd.s32 $0xFFFFFEF7, lr;
	s5 =	simm.s32 $0xFFFFFFFF;
	p2 =	slt.u32 s8, $0xFFFFF086  }
0x1c: {  	p1 =	slt.u32 s9, $0xF7A;
	s5 =	simm.s32 @!p2 $0x0  }
0x1d: {  	s5 =	simm.s32 @p1 $0x1;
	p0 =	seq.s32 s7, s2  }
0x1e: {  	s7 =	smul.u32 @!p0 $0xF7A, s2;
	p2 =	seq.s32 @!p0 s5, $0x0  }
0x1f: {  	s9 =	smul.u32 $0xF7A, s1;
	s8 =	simm.s32 @!p0 $0x1BF5;
	p2 =	por !p2, p0  }
0x20: {  	[sflag:s8] =	ssyncset.s32 @!p0 $0xFFFFF086;
	s6 =	sadd.s32 @!p0 s3, s7;
	s7 =	simm.s32 @!p0 $0x108  }
0x21: {  	s3 =	sadd.s32 s3, s9;
	s6 =	sadd.s32 @!p0 $0x88, s6;
	s7 =	simm.s32 @p2 $0x1082  }
0x22: {  	[simem:s7], [sflag:s8] =	dma.local @!p0 [hbm:s6], $0xF7A  }
0x23: {  	s9 =	sor.u32 $0xD0000000, s2;
	s6 =	simm.s32 $0x108;
	_ =	swait.ge @!p0 [sflag:s8], $0x0  }
0x24: {  	s3 =	sadd.s32 $0x88, s3;
	s6 =	simm.s32 @!p1 $0x1082;
	[sflag:s4] =	ssyncset.s32 $0xFFFFF086  }
0x25: {  	[simem:s6], [sflag:s4] =	dma.local [hbm:s3], $0xF7A  }
0x26: {  	[smem:$0x3F9D] =	sst s1;
	(tag) =	ssettag s2;
	_ =	strace s9  }
0x27: {  	s1 =	sld [smem:$0x3FAD]  }
0x28: {  	s2 =	sld [smem:$0x3FAE]  }
0x29: {  	s4 =	sld [smem:$0x3FB0]  }
0x2a: {  	p0 =	seq.s32 s5, $0x0;
	s5 =	sld [smem:$0x3FB1]  }
0x2b: {  	s6 =	sld [smem:$0x3FB2]  }
0x2c: {  	s7 =	sld [smem:$0x3FB3]  }
0x2d: {  	s3 =	simm.s32 $0x108;
	s8 =	sld [smem:$0x3FB4]  }
0x2e: {  	s3 =	simm.s32 @!p0 $0x1082;
	s9 =	sld [smem:$0x3FB5]  }
0x2f: {  	lr =	sadd.s32 s0, s3;
	s0 =	sld [smem:$0x3FAC]  }
0x30: {  	s3 =	sld [smem:$0x3FAF]  }
0x31: {  	[smem:$0x3FB8] =	sst s10  }
0x32: {  	s10 =	sld [smem:$0x3FB6];
	_ =	sdelay $0x3  }
0x33: {  	p0 =	seq.s32 s10, $0x1;
	s10 =	sld [smem:$0x3FB8];
	_ =	sdelay $0x3  }
0x34: {  	[smem:$0x3FB8] =	sst s10  }
0x35: {  	s10 =	sld [smem:$0x3FB7];
	_ =	sdelay $0x3  }
0x36: {  	p1 =	seq.s32 s10, $0x1;
	s10 =	sld [smem:$0x3FB8];
	_ =	sdelay $0x3  }
0x37: {  	[smem:$0x3FB8] =	sst s10  }
0x38: {  	s10 =	sld [smem:$0x3FB9]  }
0x39: {  	_ = 	snop;
	(pc) =	sbr.ind lr, $3  }
0x3a: {  	_ = 	snop  }
0x3b: {  	_ = 	snop  }
0x3c: {  	p2 =	seq.s32 s10, $0x1;
	s10 =	sld [smem:$0x3FB8]  }
0x3d: {  	_ =	shalt  }
0x3e: {  	_ =	shalt  }
0x3f: {  	_ =	shalt  }
0x40: {  	_ =	shalt  }
0x41: {  	_ =	shalt  }
0x42: {  	_ =	shalt  }
0x43: {  	_ =	shalt  }
0x44: {  	_ =	shalt  }
0x45: {  	_ =	shalt  }
0x46: {  	_ =	shalt  }
0x47: {  	_ =	shalt  }
0x48: {  	_ =	shalt  }
0x49: {  	_ =	shalt  }
0x4a: {  	_ =	shalt  }
0x4b: {  	_ =	shalt  }
0x4c: {  	_ =	shalt  }
0x4d: {  	_ =	shalt  }
0x4e: {  	_ =	shalt  }
0x4f: {  	_ =	shalt  }
0x50: {  	_ =	shalt  }
0x51: {  	_ =	shalt  }
0x52: {  	_ =	shalt  }
0x53: {  	_ =	shalt  }
0x54: {  	_ =	shalt  }
0x55: {  	_ =	shalt  }
0x56: {  	_ =	shalt  }
0x57: {  	_ =	shalt  }
0x58: {  	_ =	shalt  }
0x59: {  	_ =	shalt  }
0x5a: {  	_ =	shalt  }
0x5b: {  	_ =	shalt  }
0x5c: {  	_ =	shalt  }
0x5d: {  	_ =	shalt  }
0x5e: {  	_ =	shalt  }
0x5f: {  	_ =	shalt  }
0x60: {  	_ =	shalt  }
0x61: {  	_ =	shalt  }
0x62: {  	_ =	shalt  }
0x63: {  	_ =	shalt  }
0x64: {  	_ =	shalt  }
0x65: {  	_ =	shalt  }
0x66: {  	_ =	shalt  }
0x67: {  	_ =	shalt  }
0x68: {  	_ =	shalt  }
0x69: {  	_ =	shalt  }
0x6a: {  	_ =	shalt  }
0x6b: {  	_ =	shalt  }
0x6c: {  	_ =	shalt  }
0x6d: {  	_ =	shalt  }
0x6e: {  	_ =	shalt  }
0x6f: {  	_ =	shalt  }
0x70: {  	_ =	shalt  }
0x71: {  	_ =	shalt  }
0x72: {  	_ =	shalt  }
0x73: {  	_ =	shalt  }
0x74: {  	_ =	shalt  }
0x75: {  	_ =	shalt  }
0x76: {  	_ =	shalt  }
0x77: {  	_ =	shalt  }
0x78: {  	_ =	shalt  }
0x79: {  	_ =	shalt  }
0x7a: {  	_ =	shalt  }
0x7b: {  	_ =	shalt  }
0x7c: {  	_ =	shalt  }
0x7d: {  	_ =	shalt  }
0x7e: {  	_ =	shalt  }
0x7f: {  	_ =	shalt  }
0x80: {  	_ =	shalt  }
0x81: {  	_ =	shalt  }
0x82: {  	_ =	shalt  }
0x83: {  	_ =	shalt  }
0x84: {  	_ =	shalt  }
0x85: {  	_ =	shalt  }
0x86: {  	_ =	shalt  }
0x87: {  	_ =	shalt  }
.Lfunc_end0:
.L_simem_size_0:
called_computation_lowered:
.L_overlay_start_0:
0x88: {  	s2 =	sld [smem:$0x3FD9]  }
0x89: {  	s3 =	sld [smem:$0x3FFE];
	_ =	sdelay $0x1  }
0x8a: {  	s1 =	srdreg.scid  }
0x8b: {  	s0 =	sand.u32 $0x1, s1  }
0x8c: {  	s14 =	sshll.u32 s0, $0xA;
	s2 =	sadd.s32 s3, s2  }
0x8d: {  	s2 =	sadd.s32 s2, s14  }
0x8e: {  	[smem:$0x3FC4] =	sst s2  }
0x8f: {  	_ = 	snop  }
0x90: {  	s2 =	sld [smem:$0x3FD0];
	_ =	sdelay $0x2  }
0x91: {  	s15 =	simm.s32 $0xA;
	s4 =	simm.s32 $0x10  }
0x92: {  	[smem:s4], [sflag:s15] =	dma.local [hbm:s2], $0x1  }
0x93: {  	_ =	swait.eq [sflag:s15], $0x1  }
0x94: {  	[sflag:s15] =	ssyncset.done $0x0  }
0x95: {  	s16 =	sld [smem:$0x10];
	[sflag:s15] =	ssyncadd.s32 $0xFFFFFFFF  }
0x96: {  	s17 =	sld [smem:$0x11];
	(tm) =	ssettm $0x1  }
0x97: {  	s18 =	sld [smem:$0x3FFB];
	_ =	sdelay $0x3  }
0x98: {  	_ =	strace s18  }
0x99: {  	s4 =	sld [smem:$0x3FFC];
	_ =	sdelay $0x3  }
0x9a: {  	_ =	strace s4  }
0x9b: {  	s4 =	sld [smem:$0x3FFD];
	_ =	sdelay $0x3  }
0x9c: {  	_ =	strace s4  }
0x9d: {  	_ =	strace $0x8FFFFFFF  }
0x9e: {  	s19 =	sld [smem:$0x3FDB];
	_ =	sdelay $0x1  }
0x9f: {  	s5 =	simm.s32 $_scs_section_size  }
0xa0: {  	s6 =	simm.s32 $_size__tile_overlayer_lowered;
	s7 =	simm.s32 $_tile_overlayer_lowered  }
0xa1: {  	s22 =	simm.s32 $0x1BFF;
	s21 =	sshll.u32 s7, $0x1;
	s4 =	sadd.s32 s5, s19  }
0xa2: {  	s8 =	simm.s32 $0x0;
	s20 =	sshll.u32 s6, $0x1;
	s6 =	sadd.s32 s21, s4  }
0xa3: {  	[timem:s8], [sflag:s22] =	dma.local [hbm:s6], s20  }
0xa4: {  	_ =	swait.ge [sflag:s22], s20  }
0xa5: {  	s5 =	ssub.s32 $0x0, s20;
	[sflag:s22] =	ssyncset.done $0x0  }
0xa6: {  	[sflag:s22] =	ssyncadd.s32 s5;
	_ =	sdelay $0x1  }
0xa7: {  	s23 =	simm.s32 $0x1B8B  }
0xa8: {  	_ =	swait.ge [sflag:s23], $0x1  }
0xa9: {  	[sflag:s23] =	ssyncset.done $0x0  }
0xaa: {  	s25 =	simm.s32 $0x1B8E;
	s24 =	sld [smem:$0x3FFE];
	[sflag:s23] =	ssyncadd.s32 $0xFFFFFFFF  }
0xab: {  	s26 =	simm.s32 $execute0_lowered;
	[smem:$0x3FD2] =	sst s25  }
0xac: {  	s6 =	sshll.u32 s26, $0x1;
	_ =	strace $0x80000046;
	[dreg:$0x1] =	wrdreg $0xFFFFFFFF  }
0xad: {  	s28 =	simm.s32 $_size_execute0_lowered;
	s4 =	sadd.s32 s4, s6;
	[dreg:$0x0] =	wrdreg $0x0  }
0xae: {  	s6 =	sshll.u32 s28, $0x1;
	[dreg:$0x2] =	wrdreg s4  }
0xaf: {  	[dreg:$0x3] =	wrdreg s6  }
0xb0: {  	[dreg:$0x4] =	wrdreg $0xC0  }
0xb1: {  	_ =	task [dreg:s8], $0x5FFFF  }
0xb2: {  	[dreg:$0x1] =	wrdreg $0xFFFFFFFF  }
0xb3: {  	[dreg:$0x0] =	wrdreg $0x60  }
0xb4: {  	[dreg:$0x2] =	wrdreg s17  }
0xb5: {  	[dreg:$0x3] =	wrdreg s16  }
0xb6: {  	[dreg:$0x4] =	wrdreg s24  }
0xb7: {  	[dreg:$0x5] =	wrdreg $0x9  }
0xb8: {  	_ =	task.clear_ibuf [dreg:s8], $0x6FFFF;
	_ =	strace $0x90000046  }
0xb9: {  	s29 =	simm.s32 $0x9;
	_ =	strace $0x80000048  }
0xba: {  	_ =	swait.ge [sflag:s29], $0x1  }
0xbb: {  	[sflag:s29] =	ssyncadd.s32 $0xFFFFFFFF  }
0xbc: {  	_ =	strace $0x90000048  }
0xbd: {  	_ =	sfence  }
0xbe: {  	s30 =	sld [smem:$0x0];
	_ =	sdelay $0x2  }
0xbf: {  	s31 =	sshll.u32 s1, $0xD;
	s1 =	sshrl.u32 s1, $0x2  }
0xc0: {  	s3 =	sand.u32 $0x4000, s31;
	s1 =	sadd.s32 s1, s30  }
0xc1: {  	s0 =	sor.u32 s3, s0;
	s1 =	sshll.u32 s1, $0x11  }
0xc2: {  	s0 =	sor.u32 s1, s0  }
0xc3: {  	s0 =	sadd.s32 $0x8F2B, s0  }
0xc4: {  	[sflag:s0] =	ssyncadd.remote.s32 $0x1  }
0xc5: {  	_ =	sfence.sel $0xFFFF  }
0xc6: {  	[dreg:$0x0] =	wrdreg $0xFFFFFFFF;
	(pc) =	sbr.abs _section_cstart, $3  }
0xc7: {  	[dreg:$0x1] =	wrdreg $0xFFFFFFFF  }
0xc8: {  	_ =	task.clear_ibuf [dreg:s8], $0x2FFFF;
	_ =	strace $0x9FFFFFFF  }
0xc9: {  	(tm) =	ssettm $0x7FFFFFFF  }
tec
execute0_lowered:
.L_overlay_start_1:
0x0: {  	(tag) =	ssettag $0x1  }
0x1: {  	s1 =	rddreg [dreg:$0x0]  }
0x2: {  	s2 =	rddreg [dreg:$0x1]  }
0x3: {  	s0 =	rddreg [dreg:$0x2];
	s4 =	simm.s32 $0x0;
	s3 =	srdreg.scid  }
0x4: {  	s6 =	stileid.u32;
	s13 =	simm.s32 $0x6580;
	s14 =	simm.s32 $0x2  }
0x5: {  	s15 =	simm.s32 $0x16D80;
	s16 =	simm.s32 $0x1;
	s17 =	simm.s32 $0x4580  }
0x6: {  	s18 =	simm.s32 $0x4D80;
	s19 =	simm.s32 $0x5580;
	s20 =	simm.s32 $0x5D80  }
0x7: {  	s21 =	simm.s32 $0x0;
	[smem:$0x7FF] =	sst s4;
	s3 =	sand.u32 $0x1, s3  }
0x8: {  	s7 =	sshll.u32 s6, $0x8;
	s29 =	sadd.s32 $0x1E00, s0;
	s30 =	sadd.s32 $0xE00, s0  }
0x9: {  	_ =	strace $0x80000047;
	s5 =	sshll.u32 s3, $0xC;
	[dreg:$0x4] =	wrdreg s29  }
.Ltmp0:
0xa: {  	s3 =	ssub.s32 $0x2, s3;
	s7 =	sor.u32 s7, s5;
	(pc) =	sbr.rel .LBB2_1-.Ltmp0, $4  }
0xb: {  	[dreg:$0x5] =	wrdreg s30;
	s31 =	sshrl.u32 s3, $0x1;
	s5 =	sshll.u32 s7, $0x5  }
0xc: {  	v3 =	vlaneseq.u32;
	v0 =	vimm.s32 $0x100;
	s8 =	sshll.u32 s7, $0x4;
	s3 =	ssub.s32 s3, s31;
	s12 =	ssub.s32 $0x0, s7  }
0xd: {  	vm0 =	vmmov $0xffff;
	v4 =	vimm.f32 $1.000000000e+00;
	v2 =	vshrl.u32 v3, $0x3;
	s5 =	sadd.s32 s5, s0;
	s0 =	sadd.s32 s8, s0;
	s8 =	sadd.s32 $0x100, s7  }
0xe: {  	v1 =	vand.u32 $0x7, v3;
	v3 =	vor.u32 $0x8, v3;
	v2 =	vmul.u32 $0x8, v2;
	s11 =	smax.u32 s3, $0x1;
	s9 =	sadd.s32 $0x23E00, s5;
	s10 =	sadd.s32 $0x3E00, s0  }
.LBB2_11:
0xf: {  	[hbm4b:s9+s4] =	stream.linear.scatter [tilespmem:s13], [sflag:$0x2], $0x10000, $0x38;
	[tilespmem:$0x1F180] =	vst v63  }
0x10: {  	s21 =	sadd.s32 $0x1, s21;
	_ =	swait.ge [sflag:s14], $0x10000  }
0x11: {  	p0 =	sne.s32 s21, s11;
	[sflag:s14] =	ssyncset.done $0x0  }
.Ltmp1:
0x12: {  	[sflag:s14] =	ssyncadd.s32 $0xFFFF0000;
	(pc) =	sbr.rel @!p0 .LBB2_12-.Ltmp1, $4  }
0x13: {  	[hbm4b:s10+s4] =	stream.linear.scatter [tilespmem:s15], [sflag:$0x2], $0x8000, $0x38;
	[tilespmem:$0x1F180] =	vst v63  }
0x14: {  	_ =	swait.ge [sflag:s14], $0x8000  }
0x15: {  	[sflag:s14] =	ssyncset.done $0x0  }
0x16: {  	[sflag:s14] =	ssyncadd.s32 $0xFFFF8000  }
.LBB2_1:
0x17: {  	s0 =	rddreg [dreg:$0x4]  }
0x18: {  	[tilespmem:s13], [sflag:$0x2] =	stream.linear.gather [hbm4b:s0+s4], $0x10000, $0x38;
	[tilespmem:$0x1F180] =	vst v63  }
0x19: {  	_ =	swait.ge [sflag:s14], $0x10000  }
0x1a: {  	[sflag:s14] =	ssyncset.done $0x0  }
0x1b: {  	s31 =	rddreg [dreg:$0x5];
	[sflag:s14] =	ssyncadd.s32 $0xFFFF0000  }
0x1c: {  	[tilespmem:s15], [sflag:$0x2] =	stream.linear.gather [hbm4b:s31+s4], $0x8000, $0x38;
	[tilespmem:$0x1F180] =	vst v63  }
0x1d: {  	_ =	swait.ge [sflag:s14], $0x8000  }
0x1e: {  	s22 =	simm.s32 $0x0;
	[sflag:s14] =	ssyncset.done $0x0  }
0x1f: {  	s3 =	simm.s32 $0x0;
	s0 =	smov.u32 s12;
	[sflag:s14] =	ssyncadd.s32 $0xFFFF8000  }
.LBB2_2:
0x20: {  	s5 =	sshll.u32 s3, $0x7  }
0x21: {  	s23 =	simm.s32 $0x0;
	s5 =	sadd.s32 s1, s5  }
0x22: {  	[tilespmem:s23], [sflag:$0x2] =	stream.linear.gather [hbm4b:s5+s23], $0x400, $0x38;
	[tilespmem:$0x1F180] =	vst v63  }
0x23: {  	_ =	swait.ge [sflag:s14], $0x400  }
0x24: {  	[sflag:s14] =	ssyncset.done $0x0  }
0x25: {  	s29 =	simm.s32 $0x0;
	[sflag:s14] =	ssyncadd.s32 $0xFFFFFC00  }
0x26: {  	v5 =	vld [tilespmem:s29+$0x0];
	_ =	sdelay $0x4  }
0x27: {  	(v2sf) =	vpush v5, $0x0;
	_ =	sdelay $0xe  }
0x28: {  	s30 =	spop (v2sf)  }
0x29: {  	p0 =	sge.s32 s30, s7;
	p1 =	slt.s32 s30, s8;
	s5 =	sadd.s32 s0, s30  }
0x2a: {  	p0 =	por !p0, !p1;
	v5 =	vmov s5  }
0x2b: {  	s31 =	simm.s32 $0x1;
	s23 =	simm.s32 $0x1;
	p0 =	por !p0, !p0;
	[tilespmem:s22+$0x480] =	vst v5  }
0x2c: {  	s24 =	simm.s32 $0x8;
	s5 =	smov.u32 s0;
	v5 =	vld [tilespmem:s31+$0x0];
	s23 =	simm.s32 @!p0 $0x0  }
.LBB2_3:
0x2d: {  	s22 =	sadd.s32 s23, s22  }
0x2e: {  	s5 =	sadd.s32 $0x200, s5;
	s23 =	smov.u32 s24;
	s25 =	sadd.s32 $0x4, s24  }
0x2f: {  	p0 =	sne.s32 s24, $0xFFC;
	_ =	sdelay $0x2  }
0x30: {  	(v2sf) =	vpush v5, $0x0;
	_ =	sdelay $0xe  }
0x31: {  	s24 =	spop (v2sf)  }
0x32: {  	p1 =	sge.s32 s24, s7  }
.Ltmp2:
0x33: {  	p2 =	slt.s32 s24, s8;
	s24 =	sadd.s32 s5, s24;
	(pc) =	sbr.rel @p0 .LBB2_3-.Ltmp2, $4  }
0x34: {  	p1 =	por !p1, !p2;
	v5 =	vmov s24  }
0x35: {  	s23 =	sshra.s32 s23, $0x2;
	p1 =	por !p1, !p1;
	[tilespmem:s22+$0x480] =	vst v5  }
0x36: {  	v5 =	vld [tilespmem:s23+$0x0];
	s23 =	simm.s32 $0x1  }
0x37: {  	s24 =	smov.u32 s25;
	s23 =	simm.s32 @!p1 $0x0  }
0x38: {  	_ =	sdelay $0x2  }
0x39: {  	(v2sf) =	vpush v5, $0x0;
	_ =	sdelay $0xe  }
0x3a: {  	s24 =	spop (v2sf)  }
0x3b: {  	p0 =	sge.s32 s24, s7;
	p1 =	slt.s32 s24, s8  }
0x3c: {  	s5 =	sadd.s32 $0x200, s5;
	s3 =	sadd.s32 $0x1, s3;
	p0 =	por !p0, !p1  }
0x3d: {  	s5 =	sadd.s32 s5, s24;
	s24 =	simm.s32 $0x1;
	p0 =	por !p0, !p0  }
0x3e: {  	s24 =	simm.s32 @!p0 $0x0;
	p0 =	sne.s32 s3, $0x10  }
.Ltmp3:
0x3f: {  	_ = 	snop;
	(pc) =	sbr.rel @p0 .LBB2_2-.Ltmp3, $3  }
0x40: {  	_ =	sdelay $0x1  }
0x41: {  	s22 =	sadd.s32 s23, s22;
	v5 =	vmov s5  }
0x42: {  	s0 =	sadd.s32 $0x80000, s0;
	[tilespmem:s22+$0x480] =	vst v5;
	s22 =	sadd.s32 s24, s22  }
.Ltmp4:
0x43: {  	(pc) =	sbr.rel .LBB2_6-.Ltmp4, $3  }
0x44: {  	_ =	sdelay $0x1  }
0x45: {  	[tilespmem:s22+$0x480] =	vst v0  }
0x46: {  	[tilespmem:s22+$0x490] =	vst v0;
	s23 =	simm.s32 $0x0;
	s24 =	simm.s32 $0x480;
	s25 =	simm.s32 $0x0  }
.LBB2_10:
0x47: {  	s25 =	sadd.s32 $0x1, s25  }
0x48: {  	p0 =	sne.s32 s25, $0x200  }
.Ltmp5:
0x49: {  	_ = 	snop;
	(pc) =	sbr.rel @!p0 .LBB2_11-.Ltmp5, $2  }
0x4a: {  	_ =	sdelay $0x2  }
0x4b: {  	s23 =	sadd.s32 $0x20, s23;
	s24 =	sadd.s32 $0x20, s24  }
.LBB2_6:
0x4c: {  	s0 =	sshll.u32 s25, $0x5  }
0x4d: {  	p0 =	sge.s32 s0, s22  }
.Ltmp6:
0x4e: {  	_ = 	snop;
	(pc) =	sbr.rel @p0 .LBB2_10-.Ltmp6, $1  }
0x4f: {  	_ =	sdelay $0x3  }
0x50: {  	v5 =	vld [tilespmem:s0+$0x480];
	_ =	sdelay $0x4  }
0x51: {  	v5 =	vshra.s32 v5, $0x9  }
0x52: {  	v6 =	vshll.u32 v5, $0x1  }
0x53: {  	v7 =	vand.u32 $0x7, v5;
	v6 =	vand.u32 $0xFFFFFFF0, v6  }
0x54: {  	[tilespmem:$0x4500] =	vst v5;
	v5 =	vor.u32 v7, v6  }
0x55: {  	v6 =	vld [tilespmem:s0+$0x490];
	v7 =	vperm.xlane v5, v1;
	_ =	sdelay $0x1  }
0x56: {  	v5 =	vperm.xlane v5, v3;
	v7 =	vadd.s32 v2, v7;
	_ =	sdelay $0x1  }
0x57: {  	v5 =	vadd.s32 v2, v5  }
0x58: {  	v6 =	vshra.s32 v6, $0x9  }
0x59: {  	s26 =	simm.s32 $0x0;
	[tilespmem:$0x4510] =	vst v6  }
0x5a: {  	[tilespmem:s17], [sflag:$0x1] =	stream.indirect_vreg.gather [hbm4b:s2+s26], $0x80, v7, vm0, $0xb8;
	[tilespmem:$0x1F180] =	vst v63  }
0x5b: {  	_ = 	snop  }
0x5c: {  	[tilespmem:s18], [sflag:$0x1] =	stream.indirect_vreg.gather [hbm4b:s2+s26], $0x80, v5, vm0, $0xb8;
	[tilespmem:$0x1F180] =	vst v63  }
0x5d: {  	v5 =	vld [tilespmem:$0x4510];
	_ =	sdelay $0x4  }
0x5e: {  	v6 =	vshll.u32 v5, $0x1  }
0x5f: {  	v5 =	vand.u32 $0x7, v5;
	v6 =	vand.u32 $0xFFFFFFF0, v6  }
0x60: {  	v5 =	vor.u32 v5, v6  }
0x61: {  	v6 =	vperm.xlane v5, v1;
	_ =	sdelay $0x1  }
0x62: {  	v5 =	vperm.xlane v5, v3;
	v6 =	vadd.s32 v2, v6;
	_ =	sdelay $0x1  }
0x63: {  	v5 =	vadd.s32 v2, v5;
	_ =	sdelay $0x2  }
0x64: {  	[tilespmem:s19], [sflag:$0x1] =	stream.indirect_vreg.gather [hbm4b:s2+s26], $0x80, v6, vm0, $0xb8;
	[tilespmem:$0x1F180] =	vst v63  }
0x65: {  	_ = 	snop  }
0x66: {  	[tilespmem:s20], [sflag:$0x1] =	stream.indirect_vreg.gather [hbm4b:s2+s26], $0x80, v5, vm0, $0xb8;
	[tilespmem:$0x1F180] =	vst v63  }
0x67: {  	_ =	swait.ge [sflag:s16], $0x2000  }
0x68: {  	[sflag:s16] =	ssyncset.done $0x0  }
0x69: {  	[sflag:s16] =	ssyncadd.s32 $0xFFFFE000  }
0x6a: {  	v5 =	vld [tilespmem:s24+$0x0];
	_ =	sdelay $0x4  }
0x6b: {  	(v2sf) =	vpush v5, $0x0;
	_ =	sdelay $0xd  }
0x6c: {  	s5 =	sand.u32 $0x1800, s26;
	s3 =	sand.u32 $0x380, s26  }
0x6d: {  	s0 =	sor.u32 s3, s5;
	s6 =	spop (v2sf)  }
0x6e: {  	p0 =	slt.s32 s23, s22;
	v5 =	vld [tilespmem:s0+$0x4580];
	s3 =	sand.u32 $0x1FF, s6  }
0x6f: {  	s3 =	simm.s32 @!p0 $0x100  }
0x70: {  	s5 =	sshll.u32 s3, $0x8;
	s3 =	sshll.u32 s3, $0x7  }
0x71: {  	s5 =	sand.u32 $0x1F800, s5;
	s28 =	sand.u32 $0x380, s3  }
0x72: {  	s5 =	sor.u32 s28, s5  }
0x73: {  	[tilespmem:s5+$0x6580] =	vst.add.f32.msk $0xffff, v5  }
0x74: {  	v5 =	vld [tilespmem:s0+$0x4590];
	_ =	sdelay $0x4  }
0x75: {  	[tilespmem:s5+$0x6590] =	vst.add.f32.msk $0xffff, v5  }
0x76: {  	v5 =	vld [tilespmem:s0+$0x45A0];
	_ =	sdelay $0x4  }
0x77: {  	[tilespmem:s5+$0x65A0] =	vst.add.f32.msk $0xffff, v5  }
0x78: {  	v5 =	vld [tilespmem:s0+$0x45B0];
	_ =	sdelay $0x4  }
0x79: {  	[tilespmem:s5+$0x65B0] =	vst.add.f32.msk $0xffff, v5  }
0x7a: {  	v5 =	vld [tilespmem:s0+$0x45C0];
	_ =	sdelay $0x4  }
0x7b: {  	[tilespmem:s5+$0x65C0] =	vst.add.f32.msk $0xffff, v5  }
0x7c: {  	v5 =	vld [tilespmem:s0+$0x45D0];
	_ =	sdelay $0x4  }
0x7d: {  	[tilespmem:s5+$0x65D0] =	vst.add.f32.msk $0xffff, v5  }
0x7e: {  	v5 =	vld [tilespmem:s0+$0x45E0];
	_ =	sdelay $0x4  }
0x7f: {  	[tilespmem:s5+$0x65E0] =	vst.add.f32.msk $0xffff, v5  }
0x80: {  	v5 =	vld [tilespmem:s0+$0x45F0];
	_ =	sdelay $0x4  }
0x81: {  	[tilespmem:s5+$0x65F0] =	vst.add.f32.msk $0xffff, v5  }
0x82: {  	v5 =	vld [tilespmem:s0+$0x4980];
	_ =	sdelay $0x4  }
0x83: {  	[tilespmem:s5+$0x6980] =	vst.add.f32.msk $0xffff, v5  }
0x84: {  	v5 =	vld [tilespmem:s0+$0x4990];
	_ =	sdelay $0x4  }
0x85: {  	[tilespmem:s5+$0x6990] =	vst.add.f32.msk $0xffff, v5  }
0x86: {  	v5 =	vld [tilespmem:s0+$0x49A0];
	_ =	sdelay $0x4  }
0x87: {  	[tilespmem:s5+$0x69A0] =	vst.add.f32.msk $0xffff, v5  }
0x88: {  	v5 =	vld [tilespmem:s0+$0x49B0];
	_ =	sdelay $0x4  }
0x89: {  	[tilespmem:s5+$0x69B0] =	vst.add.f32.msk $0xffff, v5  }
0x8a: {  	v5 =	vld [tilespmem:s0+$0x49C0];
	_ =	sdelay $0x4  }
0x8b: {  	[tilespmem:s5+$0x69C0] =	vst.add.f32.msk $0xffff, v5  }
0x8c: {  	v5 =	vld [tilespmem:s0+$0x49D0];
	_ =	sdelay $0x4  }
0x8d: {  	[tilespmem:s5+$0x69D0] =	vst.add.f32.msk $0xffff, v5  }
0x8e: {  	v5 =	vld [tilespmem:s0+$0x49E0];
	_ =	sdelay $0x4  }
0x8f: {  	[tilespmem:s5+$0x69E0] =	vst.add.f32.msk $0xffff, v5  }
0x90: {  	v5 =	vld [tilespmem:s0+$0x49F0];
	_ =	sdelay $0x4  }
0x91: {  	[tilespmem:s5+$0x69F0] =	vst.add.f32.msk $0xffff, v5  }
0x92: {  	s30 =	sadd.s32 $0x1, s24;
	[tilespmem:s3+$0x16D80] =	vst.add.f32.msk $0xffff, v4  }
0x93: {  	v5 =	vld [tilespmem:s30+$0x0]  }
0x94: {  	s29 =	simm.s32 $0x100;
	s31 =	simm.s32 $0x200;
	s28 =	smov.u32 s23  }
.LBB2_8:
0x95: {  	p0 =	sne.s32 s31, $0x1F00;
	_ =	sdelay $0x2  }
0x96: {  	(v2sf) =	vpush v5, $0x0;
	_ =	sdelay $0xc  }
0x97: {  	s26 =	sadd.s32 $0x80, s26  }
0x98: {  	s0 =	sand.u32 $0x1800, s29;
	s29 =	smov.u32 s31;
	s3 =	sand.u32 $0x380, s26  }
0x99: {  	s28 =	sadd.s32 $0x1, s28;
	s0 =	sor.u32 s3, s0;
	s3 =	spop (v2sf)  }
0x9a: {  	p1 =	slt.s32 s28, s22;
	s3 =	sand.u32 $0x1FF, s3;
	v5 =	vld [tilespmem:s0+$0x4580]  }
0x9b: {  	s3 =	simm.s32 @!p1 $0x100  }
0x9c: {  	s5 =	sshll.u32 s3, $0x8;
	s3 =	sshll.u32 s3, $0x7  }
0x9d: {  	s5 =	sand.u32 $0x1F800, s5;
	s6 =	sand.u32 $0x380, s3  }
0x9e: {  	s5 =	sor.u32 s6, s5  }
0x9f: {  	[tilespmem:s5+$0x6580] =	vst.add.f32.msk $0xffff, v5  }
0xa0: {  	v5 =	vld [tilespmem:s0+$0x4590];
	_ =	sdelay $0x4  }
0xa1: {  	[tilespmem:s5+$0x6590] =	vst.add.f32.msk $0xffff, v5  }
0xa2: {  	v5 =	vld [tilespmem:s0+$0x45A0];
	_ =	sdelay $0x4  }
0xa3: {  	[tilespmem:s5+$0x65A0] =	vst.add.f32.msk $0xffff, v5  }
0xa4: {  	v5 =	vld [tilespmem:s0+$0x45B0];
	_ =	sdelay $0x4  }
0xa5: {  	[tilespmem:s5+$0x65B0] =	vst.add.f32.msk $0xffff, v5  }
0xa6: {  	v5 =	vld [tilespmem:s0+$0x45C0];
	_ =	sdelay $0x4  }
0xa7: {  	[tilespmem:s5+$0x65C0] =	vst.add.f32.msk $0xffff, v5  }
0xa8: {  	v5 =	vld [tilespmem:s0+$0x45D0];
	_ =	sdelay $0x4  }
0xa9: {  	[tilespmem:s5+$0x65D0] =	vst.add.f32.msk $0xffff, v5  }
0xaa: {  	v5 =	vld [tilespmem:s0+$0x45E0];
	_ =	sdelay $0x4  }
0xab: {  	[tilespmem:s5+$0x65E0] =	vst.add.f32.msk $0xffff, v5  }
0xac: {  	v5 =	vld [tilespmem:s0+$0x45F0];
	_ =	sdelay $0x4  }
0xad: {  	[tilespmem:s5+$0x65F0] =	vst.add.f32.msk $0xffff, v5  }
0xae: {  	v5 =	vld [tilespmem:s0+$0x4980];
	_ =	sdelay $0x4  }
0xaf: {  	[tilespmem:s5+$0x6980] =	vst.add.f32.msk $0xffff, v5  }
0xb0: {  	v5 =	vld [tilespmem:s0+$0x4990];
	_ =	sdelay $0x4  }
0xb1: {  	[tilespmem:s5+$0x6990] =	vst.add.f32.msk $0xffff, v5  }
0xb2: {  	v5 =	vld [tilespmem:s0+$0x49A0];
	_ =	sdelay $0x4  }
0xb3: {  	[tilespmem:s5+$0x69A0] =	vst.add.f32.msk $0xffff, v5  }
0xb4: {  	v5 =	vld [tilespmem:s0+$0x49B0];
	_ =	sdelay $0x4  }
0xb5: {  	[tilespmem:s5+$0x69B0] =	vst.add.f32.msk $0xffff, v5  }
0xb6: {  	v5 =	vld [tilespmem:s0+$0x49C0];
	_ =	sdelay $0x4  }
0xb7: {  	[tilespmem:s5+$0x69C0] =	vst.add.f32.msk $0xffff, v5  }
0xb8: {  	v5 =	vld [tilespmem:s0+$0x49D0];
	_ =	sdelay $0x4  }
0xb9: {  	[tilespmem:s5+$0x69D0] =	vst.add.f32.msk $0xffff, v5  }
0xba: {  	v5 =	vld [tilespmem:s0+$0x49E0];
	_ =	sdelay $0x4  }
0xbb: {  	[tilespmem:s5+$0x69E0] =	vst.add.f32.msk $0xffff, v5  }
0xbc: {  	v5 =	vld [tilespmem:s0+$0x49F0];
	_ =	sdelay $0x3  }
.Ltmp7:
0xbd: {  	(pc) =	sbr.rel @p0 .LBB2_8-.Ltmp7, $4  }
0xbe: {  	[tilespmem:s5+$0x69F0] =	vst.add.f32.msk $0xffff, v5  }
0xbf: {  	s30 =	sadd.s32 $0x1, s30;
	[tilespmem:s3+$0x16D80] =	vst.add.f32.msk $0xffff, v4  }
0xc0: {  	v5 =	vld [tilespmem:s30+$0x0]  }
0xc1: {  	s31 =	sadd.s32 $0x100, s31  }
0xc2: {  	_ =	sdelay $0x2  }
0xc3: {  	(v2sf) =	vpush v5, $0x0;
	_ =	sdelay $0xc  }
0xc4: {  	s0 =	sadd.s32 $0x80, s26  }
0xc5: {  	s3 =	sand.u32 $0x1800, s29;
	s0 =	sand.u32 $0x380, s0  }
0xc6: {  	s5 =	sadd.s32 $0x1, s28;
	s0 =	sor.u32 s0, s3;
	s30 =	spop (v2sf)  }
0xc7: {  	p0 =	slt.s32 s5, s22;
	v5 =	vld [tilespmem:s0+$0x4580];
	s3 =	sand.u32 $0x1FF, s30  }
0xc8: {  	s3 =	simm.s32 @!p0 $0x100  }
0xc9: {  	s31 =	sshll.u32 s3, $0x8;
	s3 =	sshll.u32 s3, $0x7  }
0xca: {  	s5 =	sand.u32 $0x1F800, s31;
	s6 =	sand.u32 $0x380, s3  }
0xcb: {  	s5 =	sor.u32 s6, s5  }
0xcc: {  	[tilespmem:s5+$0x6580] =	vst.add.f32.msk $0xffff, v5  }
0xcd: {  	v5 =	vld [tilespmem:s0+$0x4590];
	_ =	sdelay $0x4  }
0xce: {  	[tilespmem:s5+$0x6590] =	vst.add.f32.msk $0xffff, v5  }
0xcf: {  	v5 =	vld [tilespmem:s0+$0x45A0];
	_ =	sdelay $0x4  }
0xd0: {  	[tilespmem:s5+$0x65A0] =	vst.add.f32.msk $0xffff, v5  }
0xd1: {  	v5 =	vld [tilespmem:s0+$0x45B0];
	_ =	sdelay $0x4  }
0xd2: {  	[tilespmem:s5+$0x65B0] =	vst.add.f32.msk $0xffff, v5  }
0xd3: {  	v5 =	vld [tilespmem:s0+$0x45C0];
	_ =	sdelay $0x4  }
0xd4: {  	[tilespmem:s5+$0x65C0] =	vst.add.f32.msk $0xffff, v5  }
0xd5: {  	v5 =	vld [tilespmem:s0+$0x45D0];
	_ =	sdelay $0x4  }
0xd6: {  	[tilespmem:s5+$0x65D0] =	vst.add.f32.msk $0xffff, v5  }
0xd7: {  	v5 =	vld [tilespmem:s0+$0x45E0];
	_ =	sdelay $0x4  }
0xd8: {  	[tilespmem:s5+$0x65E0] =	vst.add.f32.msk $0xffff, v5  }
0xd9: {  	v5 =	vld [tilespmem:s0+$0x45F0];
	_ =	sdelay $0x4  }
0xda: {  	[tilespmem:s5+$0x65F0] =	vst.add.f32.msk $0xffff, v5  }
0xdb: {  	v5 =	vld [tilespmem:s0+$0x4980];
	_ =	sdelay $0x4  }
0xdc: {  	[tilespmem:s5+$0x6980] =	vst.add.f32.msk $0xffff, v5  }
0xdd: {  	v5 =	vld [tilespmem:s0+$0x4990];
	_ =	sdelay $0x4  }
0xde: {  	[tilespmem:s5+$0x6990] =	vst.add.f32.msk $0xffff, v5  }
0xdf: {  	v5 =	vld [tilespmem:s0+$0x49A0];
	_ =	sdelay $0x4  }
0xe0: {  	[tilespmem:s5+$0x69A0] =	vst.add.f32.msk $0xffff, v5  }
0xe1: {  	v5 =	vld [tilespmem:s0+$0x49B0];
	_ =	sdelay $0x4  }
0xe2: {  	[tilespmem:s5+$0x69B0] =	vst.add.f32.msk $0xffff, v5  }
0xe3: {  	v5 =	vld [tilespmem:s0+$0x49C0];
	_ =	sdelay $0x4  }
0xe4: {  	[tilespmem:s5+$0x69C0] =	vst.add.f32.msk $0xffff, v5  }
0xe5: {  	v5 =	vld [tilespmem:s0+$0x49D0];
	_ =	sdelay $0x4  }
0xe6: {  	[tilespmem:s5+$0x69D0] =	vst.add.f32.msk $0xffff, v5  }
0xe7: {  	v5 =	vld [tilespmem:s0+$0x49E0];
	_ =	sdelay $0x4  }
0xe8: {  	[tilespmem:s5+$0x69E0] =	vst.add.f32.msk $0xffff, v5  }
0xe9: {  	v5 =	vld [tilespmem:s0+$0x49F0];
	_ =	sdelay $0x1  }
.Ltmp8:
0xea: {  	_ = 	snop;
	(pc) =	sbr.rel .LBB2_10-.Ltmp8, $3  }
0xeb: {  	_ =	sdelay $0x1  }
0xec: {  	[tilespmem:s5+$0x69F0] =	vst.add.f32.msk $0xffff, v5  }
0xed: {  	[tilespmem:s3+$0x16D80] =	vst.add.f32.msk $0xffff, v4  }
.LBB2_12:
0xee: {  	_ =	sfence.sel $0x180000  }
0xef: {  	[bflag:$0x0] =	sbarrier.arrive $0xFFFF  }
0xf0: {  	_ =	strace $0x90000047  }
0xf1: {  	s0 =	stileid.u32;
	[bflag:$0x2] =	sbarrier.arrive $0xFFFF  }
0xf2: {  	p0 =	sne.s32 s0, $0x0;
	s0 =	rddreg [dreg:$0x3]  }
0xf3: {  	s0 =	sadd.s32 @!p0 $0x100000, s0  }
0xf4: {  	[sflag:s0] =	ssyncadd.tile.s32 @!p0 $0x1;
	_ =	shalt  }
.Lfunc_end2:
_tile_overlayer_lowered:
.L_overlay_start_2:
0xf5: {  	(tag) =	ssettag $0x2  }
0xf6: {  	s0 =	rddreg [dreg:$0x0];
	s2 =	stileid.u32  }
0xf7: {  	s1 =	rddreg [dreg:$0x1];
	p0 =	sne.s32 s2, $0x0  }
0xf8: {  	s3 =	rddreg [dreg:$0x2];
	[bflag:$0x3] =	sbarrier.arrive $0xFFFF;
	s2 =	simm.s32 @!p0 $0x1C02  }
0xf9: {  	[timem:s3], [sflag:s2] =	dma.local @!p0 [hbm:s0], s1  }
0xfa: {  	s0 =	simm.s32 @!p0 $0x2  }
0xfb: {  	_ =	swait.ge @!p0 [sflag:s0], s1  }
0xfc: {  	s1 =	ssub.s32 @!p0 $0x0, s1;
	[sflag:s0] =	ssyncset.done @!p0 $0x0  }
0xfd: {  	[sflag:s0] =	ssyncadd.s32 @!p0 s1  }
0xfe: {  	[bflag:$0x3] =	sbarrier.arrive $0xFFFF  }
0xff: {  	_ =	shalt  }

</sc_bundles>
